<compile_context>
chip_gen: v7x
topology: tpu7x:2x2x1
jax: 0.10.2.dev20260603
libtpu: 0.0.44.dev20260713+nightly
codegen_flags: <defaults>
</compile_context>

<pallas_src>
import functools

import jax
import jax.numpy as jnp
from jax import lax
from jax.experimental import pallas as pl
from jax.experimental.pallas import tpu as pltpu
from jax.experimental.pallas import tpu_sc as plsc

NU = 10000
NI = 10000
E = 320000
EQ = 100000
D = 128
H = 64

NC = 2
NS = 16
NW = NC * NS
L = 16
CHUNK = E // NW
NUP = 10240

EQ_ROWS = 782
EQ_PAD = EQ_ROWS * 128


WIN = 9984
REM = E - NW * WIN


def _hist_body(eu_hbm, ei_hbm, out_u, out_i, idx_u, idx_i, rem_v, cu_v, ci_v,
               sem_u, sem_i):
    wid = lax.axis_index("c") * NS + lax.axis_index("s")
    zeros16 = jnp.zeros((L,), jnp.float32)
    ones16 = jnp.ones((L,), jnp.float32)

    base = wid * WIN
    cp_u = pltpu.async_copy(eu_hbm.at[:, pl.ds(base, WIN)], idx_u, sem_u)
    cp_i = pltpu.async_copy(ei_hbm.at[:, pl.ds(base, WIN)], idx_i, sem_i)

    def zero_body(i, carry):
        cu_v[pl.ds(i * L, L)] = zeros16
        ci_v[pl.ds(i * L, L)] = zeros16
        return carry

    lax.fori_loop(0, NUP // L, zero_body, 0, unroll=8)

    cp_u.wait()

    @plsc.parallel_loop(0, WIN // L, unroll=8)
    def _(i):
        iv = idx_u[0, pl.ds(i * L, L)]
        plsc.addupdate_scatter(cu_v, [iv], ones16)

    cp_i.wait()

    @plsc.parallel_loop(0, WIN // L, unroll=8)
    def _(i):
        iv = idx_i[0, pl.ds(i * L, L)]
        plsc.addupdate_scatter(ci_v, [iv], ones16)

    @pl.when(wid == 0)
    def _():
        pltpu.sync_copy(eu_hbm.at[:, pl.ds(NW * WIN, REM)], rem_v)

        def add_ru(i, carry):
            iv = rem_v[0, pl.ds(i * L, L)]
            plsc.addupdate_scatter(cu_v, [iv], ones16)
            return carry

        lax.fori_loop(0, REM // L, add_ru, 0, unroll=4)

        pltpu.sync_copy(ei_hbm.at[:, pl.ds(NW * WIN, REM)], rem_v)

        def add_ri(i, carry):
            iv = rem_v[0, pl.ds(i * L, L)]
            plsc.addupdate_scatter(ci_v, [iv], ones16)
            return carry

        lax.fori_loop(0, REM // L, add_ri, 0, unroll=4)

    pltpu.sync_copy(cu_v, out_u.at[pl.ds(wid * NUP, NUP)])
    pltpu.sync_copy(ci_v, out_i.at[pl.ds(wid * NUP, NUP)])


@functools.cache
def _hist():
    return pl.kernel(
        _hist_body,
        mesh=plsc.VectorSubcoreMesh(core_axis_name="c", subcore_axis_name="s"),
        out_type=[
            jax.ShapeDtypeStruct((NW * NUP,), jnp.float32),
            jax.ShapeDtypeStruct((NW * NUP,), jnp.float32),
        ],
        scratch_types=[
            pltpu.VMEM((2, WIN), jnp.int32),
            pltpu.VMEM((2, WIN), jnp.int32),
            pltpu.VMEM((2, REM), jnp.int32),
            pltpu.VMEM((NUP,), jnp.float32),
            pltpu.VMEM((NUP,), jnp.float32),
            pltpu.SemaphoreType.DMA,
            pltpu.SemaphoreType.DMA,
        ],
        compiler_params=pltpu.CompilerParams(
            use_tc_tiling_on_sc=True,
            needs_layout_passes=False,
        ),
    )


_dot = functools.partial(
    lax.dot_general,
    dimension_numbers=(((1,), (0,)), ((), ())),
    preferred_element_type=jnp.float32,
    precision=lax.Precision.HIGHEST,
)


def _dense_body(pu_ref, pi_ref, xu_ref, xi_ref, weu_ref, beu_ref, wei_ref,
                bei_ref, w1_ref, b1_ref, w2_ref, b2_ref, src_ref, dst_ref,
                out_ref):
    inv_e = jnp.float32(1.0 / E)
    cu = pu_ref[pl.ds(0, NU)]
    ci = pi_ref[pl.ds(0, NI)]
    for w in range(1, NW):
        cu = cu + pu_ref[pl.ds(w * NUP, NU)]
        ci = ci + pi_ref[pl.ds(w * NUP, NI)]

    mean_user = jnp.sum(xu_ref[...] * cu[:, None], axis=0,
                        keepdims=True) * inv_e
    mean_item = jnp.sum(xi_ref[...] * ci[:, None], axis=0,
                        keepdims=True) * inv_e

    msg_i1 = _dot(mean_user, weu_ref[...]) + beu_ref[...]
    msg_u1 = _dot(mean_item, wei_ref[...]) + bei_ref[...]

    p_u = lax.slice(ci, (0,), (1,)).reshape(1, 1) * inv_e
    p_i = lax.slice(cu, (0,), (1,)).reshape(1, 1) * inv_e
    scale = p_u * p_i
    u_vec = scale * jnp.maximum(msg_u1, 0.0)
    i_vec = scale * jnp.maximum(msg_i1, 0.0)

    z = jnp.zeros((1, H), jnp.float32)
    combos = jnp.concatenate(
        [
            jnp.concatenate([z, z], axis=1),
            jnp.concatenate([z, i_vec], axis=1),
            jnp.concatenate([u_vec, z], axis=1),
            jnp.concatenate([u_vec, i_vec], axis=1),
        ],
        axis=0,
    )
    hid = jnp.maximum(_dot(combos, w1_ref[...]) + b1_ref[...], 0.0)
    vals = jax.nn.sigmoid(_dot(hid, w2_ref[...]) + b2_ref[...])

    v00 = lax.slice(vals, (0, 0), (1, 1))
    v01 = lax.slice(vals, (1, 0), (2, 1))
    v10 = lax.slice(vals, (2, 0), (3, 1))
    v11 = lax.slice(vals, (3, 0), (4, 1))

    s_mask = src_ref[...] == 0
    d_mask = dst_ref[...] == 0
    out_ref[...] = jnp.where(
        s_mask,
        jnp.where(d_mask, v11, v10),
        jnp.where(d_mask, v01, v00),
    )


_dense = pl.pallas_call(
    _dense_body,
    out_shape=jax.ShapeDtypeStruct((EQ_ROWS, 128), jnp.float32),
)


def kernel(x_user, x_item, edge_index_u2i, edge_index_i2u, edge_label_index,
           W_emb_user, b_emb_user, W_emb_item, b_emb_item, W1, b1, W2, b2):
    part_u, part_i = _hist()(edge_index_u2i.astype(jnp.int32),
                             edge_index_i2u.astype(jnp.int32))

    eli = edge_label_index.astype(jnp.int32)
    pad = jnp.ones((2, EQ_PAD - EQ), jnp.int32)
    eli_p = jnp.concatenate([eli, pad], axis=1).reshape(2, EQ_ROWS, 128)

    out2d = _dense(
        part_u, part_i,
        x_user, x_item,
        W_emb_user, b_emb_user.reshape(1, H),
        W_emb_item, b_emb_item.reshape(1, H),
        W1, b1.reshape(1, H),
        W2, b2.reshape(1, 1),
        eli_p[0], eli_p[1],
    )
    return out2d.reshape(EQ_PAD)[:EQ]

# --- scband reference (transcript-rebuilt; emitter-appended) ---
"""Pipeline reference for scband-hetero-rgcn-81578608820892 (READ-ONLY COPY).

The authoritative reference and input builder live on the scoring server;
editing this copy changes nothing except your own understanding.
"""

import jax, jax.numpy as jnp
import numpy as np

NU = 10000
NI = 10000
E = 320000
EQ = 100000
D = 128
H = 64
NUM_LAYERS = 3


def setup_inputs(seed: int = 0) -> dict:
    key = jax.random.key(seed)
    ks = jax.random.split(key, 16)
    inp = {}
    inp["x_user"] = jax.random.normal(ks[0], (NU, D), dtype=jnp.float32)
    inp["x_item"] = jax.random.normal(ks[1], (NI, D), dtype=jnp.float32)
    inp["edge_index_u2i"] = jax.random.randint(ks[2], (2, E), 0, NU, dtype=jnp.int64)
    inp["edge_index_i2u"] = jax.random.randint(ks[3], (2, E), 0, NI, dtype=jnp.int64)
    inp["edge_label_index"] = jax.random.randint(ks[4], (2, EQ), 0, NU, dtype=jnp.int64)
    s_emb = 1.0 / np.sqrt(D)
    inp["W_emb_user"] = jax.random.uniform(ks[5], (D, H), minval=-s_emb, maxval=s_emb, dtype=jnp.float32)
    inp["b_emb_user"] = jax.random.uniform(ks[6], (H,), minval=-s_emb, maxval=s_emb, dtype=jnp.float32)
    inp["W_emb_item"] = jax.random.uniform(ks[7], (D, H), minval=-s_emb, maxval=s_emb, dtype=jnp.float32)
    inp["b_emb_item"] = jax.random.uniform(ks[8], (H,), minval=-s_emb, maxval=s_emb, dtype=jnp.float32)
    s1 = 1.0 / np.sqrt(2 * H)
    inp["W1"] = jax.random.uniform(ks[9], (2 * H, H), minval=-s1, maxval=s1, dtype=jnp.float32)
    inp["b1"] = jax.random.uniform(ks[10], (H,), minval=-s1, maxval=s1, dtype=jnp.float32)
    s2 = 1.0 / np.sqrt(H)
    inp["W2"] = jax.random.uniform(ks[11], (H, 1), minval=-s2, maxval=s2, dtype=jnp.float32)
    inp["b2"] = jax.random.uniform(ks[12], (1,), minval=-s2, maxval=s2, dtype=jnp.float32)
    return inp


def reference(x_user, x_item, edge_index_u2i, edge_index_i2u, edge_label_index,
              W_emb_user, b_emb_user, W_emb_item, b_emb_item, W1, b1, W2, b2):
    # Node-type input projections (nn.Linear per node type)
    xu = x_user @ W_emb_user + b_emb_user  # [NU, H]
    xi = x_item @ W_emb_item + b_emb_item  # [NI, H]
    h = xu.shape[1]
    for _ in range(NUM_LAYERS):
        # user nodes receive from edge type (item, rated_by, user): src = item
        msg_u = jnp.mean(jnp.take(xi, edge_index_i2u[0], axis=0), axis=0, keepdims=True)  # [1, H]
        # item nodes receive from edge type (user, rates, item): src = user
        msg_i = jnp.mean(jnp.take(xu, edge_index_u2i[0], axis=0), axis=0, keepdims=True)  # [1, H]
        # faithful to original: cat of per-edge-type means, zero-padded to N nodes
        new_u = jnp.concatenate([msg_u, jnp.zeros((xu.shape[0] - 1, h), dtype=xu.dtype)], axis=0)
        new_i = jnp.concatenate([msg_i, jnp.zeros((xi.shape[0] - 1, h), dtype=xi.dtype)], axis=0)
        xu = jax.nn.relu(new_u)
        xi = jax.nn.relu(new_i)
        # dropout: eval mode -> identity
    # Link prediction on edge type (user, rates, item)
    src_emb = jnp.take(xu, edge_label_index[0], axis=0)  # [EQ, H]
    dst_emb = jnp.take(xi, edge_label_index[1], axis=0)  # [EQ, H]
    ee = jnp.concatenate([src_emb, dst_emb], axis=-1)    # [EQ, 2H]
    hid = jax.nn.relu(ee @ W1 + b1)
    out = jax.nn.sigmoid(hid @ W2 + b2)
    return jnp.squeeze(out)

if __name__ == "__main__":
    import jax
    _d = setup_inputs()
    print(jax.jit(kernel)(*tuple(_d.values())))

</pallas_src>

<mosaic_0001>
#map = affine_map<(d0, d1) -> (0, 0)>
#map1 = affine_map<(d0, d1) -> (0)>
module attributes {stable_mosaic.version = 14 : i64} {
  func.func @_hist_body(%arg0: i32, %arg1: i32, %arg2: memref<2x320000xi32, #tpu.memory_space<hbm>>, %arg3: memref<2x320000xi32, #tpu.memory_space<hbm>>, %arg4: memref<327680xf32, #tpu.memory_space<hbm>>, %arg5: memref<327680xf32, #tpu.memory_space<hbm>>, %arg6: memref<2x9984xi32, #tpu.memory_space<vmem>>, %arg7: memref<2x9984xi32, #tpu.memory_space<vmem>>, %arg8: memref<2x512xi32, #tpu.memory_space<vmem>>, %arg9: memref<10240xf32, #tpu.memory_space<vmem>>, %arg10: memref<10240xf32, #tpu.memory_space<vmem>>, %arg11: memref<!tpu.dma_semaphore, #tpu.memory_space<semaphore_mem>>, %arg12: memref<!tpu.dma_semaphore, #tpu.memory_space<semaphore_mem>>) attributes {dimension_semantics = [#tpu.dimension_semantics<core_parallel>, #tpu.dimension_semantics<subcore_parallel>], iteration_bounds = array<i64: 2, 16>, scalar_prefetch = 0 : i64, scratch_operands = 7 : i64, tpu.core_type = #tpu.core_type<sc_vector_subcore>, window_params = [{transform_indices = #map}, {transform_indices = #map}, {transform_indices = #map1}, {transform_indices = #map1}]} {
    %mul3A = arith.constant 16 : i32
    %mul3A_0 = arith.muli %arg0, %mul3A : i32
    %add3A = arith.addi %mul3A_0, %arg1 : i32
    %broadcast_in_dim3A = arith.constant 0.000000e+00 : f32
    %broadcast_in_dim3A_1 = vector.broadcast %broadcast_in_dim3A : f32 to vector<16xf32>
    %broadcast_in_dim3A_2 = arith.constant 1.000000e+00 : f32
    %broadcast_in_dim3A_3 = vector.broadcast %broadcast_in_dim3A_2 : f32 to vector<16xf32>
    %mul3A_4 = arith.constant 9984 : i32
    %mul3A_5 = arith.muli %add3A, %mul3A_4 : i32
    %dma_start3A = arith.constant 0 : i32
    %dma_start3A_6 = tpu.memref_slice %arg2[%dma_start3A, %mul3A_5] : memref<2x320000xi32, #tpu.memory_space<hbm>> -> memref<2x9984xi32, #tpu.memory_space<hbm>>
    %dma_start3A_7 = arith.constant 0 : i32
    %dma_start3A_8 = tpu.memref_slice %arg2[%dma_start3A_7, %mul3A_5] : memref<2x320000xi32, #tpu.memory_space<hbm>> -> memref<2x9984xi32, #tpu.memory_space<hbm>>
    tpu.enqueue_dma source(%dma_start3A_8 : memref<2x9984xi32, #tpu.memory_space<hbm>>) target(%arg6 : memref<2x9984xi32, #tpu.memory_space<vmem>>) target_semaphore(%arg11 : memref<!tpu.dma_semaphore, #tpu.memory_space<semaphore_mem>>)
    %dma_start3A_9 = arith.constant 0 : i32
    %dma_start3A_10 = tpu.memref_slice %arg3[%dma_start3A_9, %mul3A_5] : memref<2x320000xi32, #tpu.memory_space<hbm>> -> memref<2x9984xi32, #tpu.memory_space<hbm>>
    %dma_start3A_11 = arith.constant 0 : i32
    %dma_start3A_12 = tpu.memref_slice %arg3[%dma_start3A_11, %mul3A_5] : memref<2x320000xi32, #tpu.memory_space<hbm>> -> memref<2x9984xi32, #tpu.memory_space<hbm>>
    tpu.enqueue_dma source(%dma_start3A_12 : memref<2x9984xi32, #tpu.memory_space<hbm>>) target(%arg7 : memref<2x9984xi32, #tpu.memory_space<vmem>>) target_semaphore(%arg12 : memref<!tpu.dma_semaphore, #tpu.memory_space<semaphore_mem>>)
    %scan3A = arith.constant 0 : i32
    %scan3A_13 = arith.constant 0 : i32
    %scan3A_14 = arith.constant 640 : i32
    %scan3A_15 = arith.addi %scan3A_13, %scan3A_14 : i32
    %scan3A_16 = arith.constant 8 : i32
    scf.for %scan3A_36 = %scan3A_13 to %scan3A_15 step %scan3A_16  : i32 {
      %mul3A_37 = arith.constant 16 : i32
      %mul3A_38 = arith.muli %scan3A_36, %mul3A_37 : i32
      %swap3A = arith.index_cast %mul3A_38 : i32 to index
      %swap3A_39 = tpu.vector_load %arg9[%swap3A] {strides = array<i32>} : memref<10240xf32, #tpu.memory_space<vmem>>, vector<16xf32>,
      tpu.vector_store %arg9[%swap3A], %broadcast_in_dim3A_1 {strides = array<i32>} : memref<10240xf32, #tpu.memory_space<vmem>>, vector<16xf32>,
      %mul3A_40 = arith.constant 16 : i32
      %mul3A_41 = arith.muli %scan3A_36, %mul3A_40 : i32
      %swap3A_42 = arith.index_cast %mul3A_41 : i32 to index
      %swap3A_43 = tpu.vector_load %arg10[%swap3A_42] {strides = array<i32>} : memref<10240xf32, #tpu.memory_space<vmem>>, vector<16xf32>,
      tpu.vector_store %arg10[%swap3A_42], %broadcast_in_dim3A_1 {strides = array<i32>} : memref<10240xf32, #tpu.memory_space<vmem>>, vector<16xf32>,
      %scan3A_44 = arith.constant 1 : i32
      %scan3A_45 = arith.addi %scan3A_36, %scan3A_44 : i32
      %mul3A_46 = arith.constant 16 : i32
      %mul3A_47 = arith.muli %scan3A_45, %mul3A_46 : i32
      %swap3A_48 = arith.index_cast %mul3A_47 : i32 to index
      %swap3A_49 = tpu.vector_load %arg9[%swap3A_48] {strides = array<i32>} : memref<10240xf32, #tpu.memory_space<vmem>>, vector<16xf32>,
      tpu.vector_store %arg9[%swap3A_48], %broadcast_in_dim3A_1 {strides = array<i32>} : memref<10240xf32, #tpu.memory_space<vmem>>, vector<16xf32>,
      %mul3A_50 = arith.constant 16 : i32
      %mul3A_51 = arith.muli %scan3A_45, %mul3A_50 : i32
      %swap3A_52 = arith.index_cast %mul3A_51 : i32 to index
      %swap3A_53 = tpu.vector_load %arg10[%swap3A_52] {strides = array<i32>} : memref<10240xf32, #tpu.memory_space<vmem>>, vector<16xf32>,
      tpu.vector_store %arg10[%swap3A_52], %broadcast_in_dim3A_1 {strides = array<i32>} : memref<10240xf32, #tpu.memory_space<vmem>>, vector<16xf32>,
      %scan3A_54 = arith.constant 2 : i32
      %scan3A_55 = arith.addi %scan3A_36, %scan3A_54 : i32
      %mul3A_56 = arith.constant 16 : i32
      %mul3A_57 = arith.muli %scan3A_55, %mul3A_56 : i32
      %swap3A_58 = arith.index_cast %mul3A_57 : i32 to index
      %swap3A_59 = tpu.vector_load %arg9[%swap3A_58] {strides = array<i32>} : memref<10240xf32, #tpu.memory_space<vmem>>, vector<16xf32>,
      tpu.vector_store %arg9[%swap3A_58], %broadcast_in_dim3A_1 {strides = array<i32>} : memref<10240xf32, #tpu.memory_space<vmem>>, vector<16xf32>,
      %mul3A_60 = arith.constant 16 : i32
      %mul3A_61 = arith.muli %scan3A_55, %mul3A_60 : i32
      %swap3A_62 = arith.index_cast %mul3A_61 : i32 to index
      %swap3A_63 = tpu.vector_load %arg10[%swap3A_62] {strides = array<i32>} : memref<10240xf32, #tpu.memory_space<vmem>>, vector<16xf32>,
      tpu.vector_store %arg10[%swap3A_62], %broadcast_in_dim3A_1 {strides = array<i32>} : memref<10240xf32, #tpu.memory_space<vmem>>, vector<16xf32>,
      %scan3A_64 = arith.constant 3 : i32
      %scan3A_65 = arith.addi %scan3A_36, %scan3A_64 : i32
      %mul3A_66 = arith.constant 16 : i32
      %mul3A_67 = arith.muli %scan3A_65, %mul3A_66 : i32
      %swap3A_68 = arith.index_cast %mul3A_67 : i32 to index
      %swap3A_69 = tpu.vector_load %arg9[%swap3A_68] {strides = array<i32>} : memref<10240xf32, #tpu.memory_space<vmem>>, vector<16xf32>,
      tpu.vector_store %arg9[%swap3A_68], %broadcast_in_dim3A_1 {strides = array<i32>} : memref<10240xf32, #tpu.memory_space<vmem>>, vector<16xf32>,
      %mul3A_70 = arith.constant 16 : i32
      %mul3A_71 = arith.muli %scan3A_65, %mul3A_70 : i32
      %swap3A_72 = arith.index_cast %mul3A_71 : i32 to index
      %swap3A_73 = tpu.vector_load %arg10[%swap3A_72] {strides = array<i32>} : memref<10240xf32, #tpu.memory_space<vmem>>, vector<16xf32>,
      tpu.vector_store %arg10[%swap3A_72], %broadcast_in_dim3A_1 {strides = array<i32>} : memref<10240xf32, #tpu.memory_space<vmem>>, vector<16xf32>,
      %scan3A_74 = arith.constant 4 : i32
      %scan3A_75 = arith.addi %scan3A_36, %scan3A_74 : i32
      %mul3A_76 = arith.constant 16 : i32
      %mul3A_77 = arith.muli %scan3A_75, %mul3A_76 : i32
      %swap3A_78 = arith.index_cast %mul3A_77 : i32 to index
      %swap3A_79 = tpu.vector_load %arg9[%swap3A_78] {strides = array<i32>} : memref<10240xf32, #tpu.memory_space<vmem>>, vector<16xf32>,
      tpu.vector_store %arg9[%swap3A_78], %broadcast_in_dim3A_1 {strides = array<i32>} : memref<10240xf32, #tpu.memory_space<vmem>>, vector<16xf32>,
      %mul3A_80 = arith.constant 16 : i32
      %mul3A_81 = arith.muli %scan3A_75, %mul3A_80 : i32
      %swap3A_82 = arith.index_cast %mul3A_81 : i32 to index
      %swap3A_83 = tpu.vector_load %arg10[%swap3A_82] {strides = array<i32>} : memref<10240xf32, #tpu.memory_space<vmem>>, vector<16xf32>,
      tpu.vector_store %arg10[%swap3A_82], %broadcast_in_dim3A_1 {strides = array<i32>} : memref<10240xf32, #tpu.memory_space<vmem>>, vector<16xf32>,
      %scan3A_84 = arith.constant 5 : i32
      %scan3A_85 = arith.addi %scan3A_36, %scan3A_84 : i32
      %mul3A_86 = arith.constant 16 : i32
      %mul3A_87 = arith.muli %scan3A_85, %mul3A_86 : i32
      %swap3A_88 = arith.index_cast %mul3A_87 : i32 to index
      %swap3A_89 = tpu.vector_load %arg9[%swap3A_88] {strides = array<i32>} : memref<10240xf32, #tpu.memory_space<vmem>>, vector<16xf32>,
      tpu.vector_store %arg9[%swap3A_88], %broadcast_in_dim3A_1 {strides = array<i32>} : memref<10240xf32, #tpu.memory_space<vmem>>, vector<16xf32>,
      %mul3A_90 = arith.constant 16 : i32
      %mul3A_91 = arith.muli %scan3A_85, %mul3A_90 : i32
      %swap3A_92 = arith.index_cast %mul3A_91 : i32 to index
      %swap3A_93 = tpu.vector_load %arg10[%swap3A_92] {strides = array<i32>} : memref<10240xf32, #tpu.memory_space<vmem>>, vector<16xf32>,
      tpu.vector_store %arg10[%swap3A_92], %broadcast_in_dim3A_1 {strides = array<i32>} : memref<10240xf32, #tpu.memory_space<vmem>>, vector<16xf32>,
      %scan3A_94 = arith.constant 6 : i32
      %scan3A_95 = arith.addi %scan3A_36, %scan3A_94 : i32
      %mul3A_96 = arith.constant 16 : i32
      %mul3A_97 = arith.muli %scan3A_95, %mul3A_96 : i32
      %swap3A_98 = arith.index_cast %mul3A_97 : i32 to index
      %swap3A_99 = tpu.vector_load %arg9[%swap3A_98] {strides = array<i32>} : memref<10240xf32, #tpu.memory_space<vmem>>, vector<16xf32>,
      tpu.vector_store %arg9[%swap3A_98], %broadcast_in_dim3A_1 {strides = array<i32>} : memref<10240xf32, #tpu.memory_space<vmem>>, vector<16xf32>,
      %mul3A_100 = arith.constant 16 : i32
      %mul3A_101 = arith.muli %scan3A_95, %mul3A_100 : i32
      %swap3A_102 = arith.index_cast %mul3A_101 : i32 to index
      %swap3A_103 = tpu.vector_load %arg10[%swap3A_102] {strides = array<i32>} : memref<10240xf32, #tpu.memory_space<vmem>>, vector<16xf32>,
      tpu.vector_store %arg10[%swap3A_102], %broadcast_in_dim3A_1 {strides = array<i32>} : memref<10240xf32, #tpu.memory_space<vmem>>, vector<16xf32>,
      %scan3A_104 = arith.constant 7 : i32
      %scan3A_105 = arith.addi %scan3A_36, %scan3A_104 : i32
      %mul3A_106 = arith.constant 16 : i32
      %mul3A_107 = arith.muli %scan3A_105, %mul3A_106 : i32
      %swap3A_108 = arith.index_cast %mul3A_107 : i32 to index
      %swap3A_109 = tpu.vector_load %arg9[%swap3A_108] {strides = array<i32>} : memref<10240xf32, #tpu.memory_space<vmem>>, vector<16xf32>,
      tpu.vector_store %arg9[%swap3A_108], %broadcast_in_dim3A_1 {strides = array<i32>} : memref<10240xf32, #tpu.memory_space<vmem>>, vector<16xf32>,
      %mul3A_110 = arith.constant 16 : i32
      %mul3A_111 = arith.muli %scan3A_105, %mul3A_110 : i32
      %swap3A_112 = arith.index_cast %mul3A_111 : i32 to index
      %swap3A_113 = tpu.vector_load %arg10[%swap3A_112] {strides = array<i32>} : memref<10240xf32, #tpu.memory_space<vmem>>, vector<16xf32>,
      tpu.vector_store %arg10[%swap3A_112], %broadcast_in_dim3A_1 {strides = array<i32>} : memref<10240xf32, #tpu.memory_space<vmem>>, vector<16xf32>,
    }
    %scan3A_17 = arith.constant 640 : i32
    %dma_wait3A = arith.constant 0 : i32
    %dma_wait3A_18 = tpu.memref_slice %arg2[%dma_wait3A, %mul3A_5] : memref<2x320000xi32, #tpu.memory_space<hbm>> -> memref<2x9984xi32, #tpu.memory_space<hbm>>
    %dma_wait3A_19 = arith.constant 0 : i32
    %dma_wait3A_20 = tpu.memref_slice %arg2[%dma_wait3A_19, %mul3A_5] : memref<2x320000xi32, #tpu.memory_space<hbm>> -> memref<2x9984xi32, #tpu.memory_space<hbm>>
    tpu.wait_dma2 semaphore(%arg11 : memref<!tpu.dma_semaphore, #tpu.memory_space<semaphore_mem>>) src(%dma_wait3A_20 : memref<2x9984xi32, #tpu.memory_space<hbm>>) dst(%arg6 : memref<2x9984xi32, #tpu.memory_space<vmem>>)
    %parallel_loop3A = arith.constant 0 : i32
    %parallel_loop3A_21 = arith.constant 624 : i32
    %parallel_loop3A_22 = arith.constant 1 : i32
    scf.for %parallel_loop3A_36 = %parallel_loop3A to %parallel_loop3A_21 step %parallel_loop3A_22  : i32 {
      %parallel_loop3A_37 = arith.constant 16 : i32
      %parallel_loop3A_38 = arith.muli %parallel_loop3A_36, %parallel_loop3A_37 : i32
      %parallel_loop3A_39 = arith.constant 0 : i32
      %parallel_loop3A_40 = arith.index_cast %parallel_loop3A_39 : i32 to index
      %parallel_loop3A_41 = arith.index_cast %parallel_loop3A_38 : i32 to index
      %parallel_loop3A_42 = tpu.vector_load %arg6[%parallel_loop3A_40, %parallel_loop3A_41] {strides = array<i32>} : memref<2x9984xi32, #tpu.memory_space<vmem>>, vector<16xi32>,
      tpu.vector_store_idx %arg9[%parallel_loop3A_42], %broadcast_in_dim3A_3 {add = true} : memref<10240xf32, #tpu.memory_space<vmem>>[vector<16xi32>], vector<16xf32>,
    } {sc.loop_unroll_factor = 8 : i64, sc.parallel_access}
    %dma_wait3A_23 = arith.constant 0 : i32
    %dma_wait3A_24 = tpu.memref_slice %arg3[%dma_wait3A_23, %mul3A_5] : memref<2x320000xi32, #tpu.memory_space<hbm>> -> memref<2x9984xi32, #tpu.memory_space<hbm>>
    %dma_wait3A_25 = arith.constant 0 : i32
    %dma_wait3A_26 = tpu.memref_slice %arg3[%dma_wait3A_25, %mul3A_5] : memref<2x320000xi32, #tpu.memory_space<hbm>> -> memref<2x9984xi32, #tpu.memory_space<hbm>>
    tpu.wait_dma2 semaphore(%arg12 : memref<!tpu.dma_semaphore, #tpu.memory_space<semaphore_mem>>) src(%dma_wait3A_26 : memref<2x9984xi32, #tpu.memory_space<hbm>>) dst(%arg7 : memref<2x9984xi32, #tpu.memory_space<vmem>>)
    %parallel_loop3A_27 = arith.constant 0 : i32
    %parallel_loop3A_28 = arith.constant 624 : i32
    %parallel_loop3A_29 = arith.constant 1 : i32
    scf.for %parallel_loop3A_36 = %parallel_loop3A_27 to %parallel_loop3A_28 step %parallel_loop3A_29  : i32 {
      %parallel_loop3A_37 = arith.constant 16 : i32
      %parallel_loop3A_38 = arith.muli %parallel_loop3A_36, %parallel_loop3A_37 : i32
      %parallel_loop3A_39 = arith.constant 0 : i32
      %parallel_loop3A_40 = arith.index_cast %parallel_loop3A_39 : i32 to index
      %parallel_loop3A_41 = arith.index_cast %parallel_loop3A_38 : i32 to index
      %parallel_loop3A_42 = tpu.vector_load %arg7[%parallel_loop3A_40, %parallel_loop3A_41] {strides = array<i32>} : memref<2x9984xi32, #tpu.memory_space<vmem>>, vector<16xi32>,
      tpu.vector_store_idx %arg10[%parallel_loop3A_42], %broadcast_in_dim3A_3 {add = true} : memref<10240xf32, #tpu.memory_space<vmem>>[vector<16xi32>], vector<16xf32>,
    } {sc.loop_unroll_factor = 8 : i64, sc.parallel_access}
    %eq3A = arith.constant 0 : i32
    %eq3A_30 = arith.cmpi eq, %add3A, %eq3A : i32
    %convert_element_type3A = arith.extui %eq3A_30 : i1 to i32
    %cond3A = arith.constant 0 : i32
    %cond3A_31 = arith.cmpi ne, %convert_element_type3A, %cond3A : i32
    scf.if %cond3A_31 {
      "tpu.region"() ({
        %run_scoped3A = tpu.sem_alloc : memref<!tpu.dma_semaphore, #tpu.memory_space<semaphore_mem>>
        %dma_start3A_48 = arith.constant 0 : i32
        %dma_start3A_49 = arith.constant 319488 : i32
        %dma_start3A_50 = tpu.memref_slice %arg2[%dma_start3A_48, %dma_start3A_49] : memref<2x320000xi32, #tpu.memory_space<hbm>> -> memref<2x512xi32, #tpu.memory_space<hbm>>
        %dma_start3A_51 = arith.constant 0 : i32
        %dma_start3A_52 = arith.constant 319488 : i32
        %dma_start3A_53 = tpu.memref_slice %arg2[%dma_start3A_51, %dma_start3A_52] : memref<2x320000xi32, #tpu.memory_space<hbm>> -> memref<2x512xi32, #tpu.memory_space<hbm>>
        tpu.enqueue_dma source(%dma_start3A_53 : memref<2x512xi32, #tpu.memory_space<hbm>>) target(%arg8 : memref<2x512xi32, #tpu.memory_space<vmem>>) target_semaphore(%run_scoped3A : memref<!tpu.dma_semaphore, #tpu.memory_space<semaphore_mem>>)
        %dma_wait3A_54 = arith.constant 0 : i32
        %dma_wait3A_55 = arith.constant 319488 : i32
        %dma_wait3A_56 = tpu.memref_slice %arg2[%dma_wait3A_54, %dma_wait3A_55] : memref<2x320000xi32, #tpu.memory_space<hbm>> -> memref<2x512xi32, #tpu.memory_space<hbm>>
        %dma_wait3A_57 = arith.constant 0 : i32
        %dma_wait3A_58 = arith.constant 319488 : i32
        %dma_wait3A_59 = tpu.memref_slice %arg2[%dma_wait3A_57, %dma_wait3A_58] : memref<2x320000xi32, #tpu.memory_space<hbm>> -> memref<2x512xi32, #tpu.memory_space<hbm>>
        tpu.wait_dma2 semaphore(%run_scoped3A : memref<!tpu.dma_semaphore, #tpu.memory_space<semaphore_mem>>) src(%dma_wait3A_59 : memref<2x512xi32, #tpu.memory_space<hbm>>) dst(%arg8 : memref<2x512xi32, #tpu.memory_space<vmem>>)
        tpu.yield
      }) : () -> ()
      %scan3A_36 = arith.constant 0 : i32
      %scan3A_37 = arith.constant 0 : i32
      %scan3A_38 = arith.constant 32 : i32
      %scan3A_39 = arith.addi %scan3A_37, %scan3A_38 : i32
      %scan3A_40 = arith.constant 4 : i32
      scf.for %scan3A_48 = %scan3A_37 to %scan3A_39 step %scan3A_40  : i32 {
        %mul3A_49 = arith.constant 16 : i32
        %mul3A_50 = arith.muli %scan3A_48, %mul3A_49 : i32
        %get3A = arith.constant 0 : i32
        %get3A_51 = arith.index_cast %get3A : i32 to index
        %get3A_52 = arith.index_cast %mul3A_50 : i32 to index
        %get3A_53 = tpu.vector_load %arg8[%get3A_51, %get3A_52] {strides = array<i32>} : memref<2x512xi32, #tpu.memory_space<vmem>>, vector<16xi32>,
        tpu.vector_store_idx %arg9[%get3A_53], %broadcast_in_dim3A_3 {add = true} : memref<10240xf32, #tpu.memory_space<vmem>>[vector<16xi32>], vector<16xf32>,
        %scan3A_54 = arith.constant 1 : i32
        %scan3A_55 = arith.addi %scan3A_48, %scan3A_54 : i32
        %mul3A_56 = arith.constant 16 : i32
        %mul3A_57 = arith.muli %scan3A_55, %mul3A_56 : i32
        %get3A_58 = arith.constant 0 : i32
        %get3A_59 = arith.index_cast %get3A_58 : i32 to index
        %get3A_60 = arith.index_cast %mul3A_57 : i32 to index
        %get3A_61 = tpu.vector_load %arg8[%get3A_59, %get3A_60] {strides = array<i32>} : memref<2x512xi32, #tpu.memory_space<vmem>>, vector<16xi32>,
        tpu.vector_store_idx %arg9[%get3A_61], %broadcast_in_dim3A_3 {add = true} : memref<10240xf32, #tpu.memory_space<vmem>>[vector<16xi32>], vector<16xf32>,
        %scan3A_62 = arith.constant 2 : i32
        %scan3A_63 = arith.addi %scan3A_48, %scan3A_62 : i32
        %mul3A_64 = arith.constant 16 : i32
        %mul3A_65 = arith.muli %scan3A_63, %mul3A_64 : i32
        %get3A_66 = arith.constant 0 : i32
        %get3A_67 = arith.index_cast %get3A_66 : i32 to index
        %get3A_68 = arith.index_cast %mul3A_65 : i32 to index
        %get3A_69 = tpu.vector_load %arg8[%get3A_67, %get3A_68] {strides = array<i32>} : memref<2x512xi32, #tpu.memory_space<vmem>>, vector<16xi32>,
        tpu.vector_store_idx %arg9[%get3A_69], %broadcast_in_dim3A_3 {add = true} : memref<10240xf32, #tpu.memory_space<vmem>>[vector<16xi32>], vector<16xf32>,
        %scan3A_70 = arith.constant 3 : i32
        %scan3A_71 = arith.addi %scan3A_48, %scan3A_70 : i32
        %mul3A_72 = arith.constant 16 : i32
        %mul3A_73 = arith.muli %scan3A_71, %mul3A_72 : i32
        %get3A_74 = arith.constant 0 : i32
        %get3A_75 = arith.index_cast %get3A_74 : i32 to index
        %get3A_76 = arith.index_cast %mul3A_73 : i32 to index
        %get3A_77 = tpu.vector_load %arg8[%get3A_75, %get3A_76] {strides = array<i32>} : memref<2x512xi32, #tpu.memory_space<vmem>>, vector<16xi32>,
        tpu.vector_store_idx %arg9[%get3A_77], %broadcast_in_dim3A_3 {add = true} : memref<10240xf32, #tpu.memory_space<vmem>>[vector<16xi32>], vector<16xf32>,
      }
      %scan3A_41 = arith.constant 32 : i32
      "tpu.region"() ({
        %run_scoped3A = tpu.sem_alloc : memref<!tpu.dma_semaphore, #tpu.memory_space<semaphore_mem>>
        %dma_start3A_48 = arith.constant 0 : i32
        %dma_start3A_49 = arith.constant 319488 : i32
        %dma_start3A_50 = tpu.memref_slice %arg3[%dma_start3A_48, %dma_start3A_49] : memref<2x320000xi32, #tpu.memory_space<hbm>> -> memref<2x512xi32, #tpu.memory_space<hbm>>
        %dma_start3A_51 = arith.constant 0 : i32
        %dma_start3A_52 = arith.constant 319488 : i32
        %dma_start3A_53 = tpu.memref_slice %arg3[%dma_start3A_51, %dma_start3A_52] : memref<2x320000xi32, #tpu.memory_space<hbm>> -> memref<2x512xi32, #tpu.memory_space<hbm>>
        tpu.enqueue_dma source(%dma_start3A_53 : memref<2x512xi32, #tpu.memory_space<hbm>>) target(%arg8 : memref<2x512xi32, #tpu.memory_space<vmem>>) target_semaphore(%run_scoped3A : memref<!tpu.dma_semaphore, #tpu.memory_space<semaphore_mem>>)
        %dma_wait3A_54 = arith.constant 0 : i32
        %dma_wait3A_55 = arith.constant 319488 : i32
        %dma_wait3A_56 = tpu.memref_slice %arg3[%dma_wait3A_54, %dma_wait3A_55] : memref<2x320000xi32, #tpu.memory_space<hbm>> -> memref<2x512xi32, #tpu.memory_space<hbm>>
        %dma_wait3A_57 = arith.constant 0 : i32
        %dma_wait3A_58 = arith.constant 319488 : i32
        %dma_wait3A_59 = tpu.memref_slice %arg3[%dma_wait3A_57, %dma_wait3A_58] : memref<2x320000xi32, #tpu.memory_space<hbm>> -> memref<2x512xi32, #tpu.memory_space<hbm>>
        tpu.wait_dma2 semaphore(%run_scoped3A : memref<!tpu.dma_semaphore, #tpu.memory_space<semaphore_mem>>) src(%dma_wait3A_59 : memref<2x512xi32, #tpu.memory_space<hbm>>) dst(%arg8 : memref<2x512xi32, #tpu.memory_space<vmem>>)
        tpu.yield
      }) : () -> ()
      %scan3A_42 = arith.constant 0 : i32
      %scan3A_43 = arith.constant 0 : i32
      %scan3A_44 = arith.constant 32 : i32
      %scan3A_45 = arith.addi %scan3A_43, %scan3A_44 : i32
      %scan3A_46 = arith.constant 4 : i32
      scf.for %scan3A_48 = %scan3A_43 to %scan3A_45 step %scan3A_46  : i32 {
        %mul3A_49 = arith.constant 16 : i32
        %mul3A_50 = arith.muli %scan3A_48, %mul3A_49 : i32
        %get3A = arith.constant 0 : i32
        %get3A_51 = arith.index_cast %get3A : i32 to index
        %get3A_52 = arith.index_cast %mul3A_50 : i32 to index
        %get3A_53 = tpu.vector_load %arg8[%get3A_51, %get3A_52] {strides = array<i32>} : memref<2x512xi32, #tpu.memory_space<vmem>>, vector<16xi32>,
        tpu.vector_store_idx %arg10[%get3A_53], %broadcast_in_dim3A_3 {add = true} : memref<10240xf32, #tpu.memory_space<vmem>>[vector<16xi32>], vector<16xf32>,
        %scan3A_54 = arith.constant 1 : i32
        %scan3A_55 = arith.addi %scan3A_48, %scan3A_54 : i32
        %mul3A_56 = arith.constant 16 : i32
        %mul3A_57 = arith.muli %scan3A_55, %mul3A_56 : i32
        %get3A_58 = arith.constant 0 : i32
        %get3A_59 = arith.index_cast %get3A_58 : i32 to index
        %get3A_60 = arith.index_cast %mul3A_57 : i32 to index
        %get3A_61 = tpu.vector_load %arg8[%get3A_59, %get3A_60] {strides = array<i32>} : memref<2x512xi32, #tpu.memory_space<vmem>>, vector<16xi32>,
        tpu.vector_store_idx %arg10[%get3A_61], %broadcast_in_dim3A_3 {add = true} : memref<10240xf32, #tpu.memory_space<vmem>>[vector<16xi32>], vector<16xf32>,
        %scan3A_62 = arith.constant 2 : i32
        %scan3A_63 = arith.addi %scan3A_48, %scan3A_62 : i32
        %mul3A_64 = arith.constant 16 : i32
        %mul3A_65 = arith.muli %scan3A_63, %mul3A_64 : i32
        %get3A_66 = arith.constant 0 : i32
        %get3A_67 = arith.index_cast %get3A_66 : i32 to index
        %get3A_68 = arith.index_cast %mul3A_65 : i32 to index
        %get3A_69 = tpu.vector_load %arg8[%get3A_67, %get3A_68] {strides = array<i32>} : memref<2x512xi32, #tpu.memory_space<vmem>>, vector<16xi32>,
        tpu.vector_store_idx %arg10[%get3A_69], %broadcast_in_dim3A_3 {add = true} : memref<10240xf32, #tpu.memory_space<vmem>>[vector<16xi32>], vector<16xf32>,
        %scan3A_70 = arith.constant 3 : i32
        %scan3A_71 = arith.addi %scan3A_48, %scan3A_70 : i32
        %mul3A_72 = arith.constant 16 : i32
        %mul3A_73 = arith.muli %scan3A_71, %mul3A_72 : i32
        %get3A_74 = arith.constant 0 : i32
        %get3A_75 = arith.index_cast %get3A_74 : i32 to index
        %get3A_76 = arith.index_cast %mul3A_73 : i32 to index
        %get3A_77 = tpu.vector_load %arg8[%get3A_75, %get3A_76] {strides = array<i32>} : memref<2x512xi32, #tpu.memory_space<vmem>>, vector<16xi32>,
        tpu.vector_store_idx %arg10[%get3A_77], %broadcast_in_dim3A_3 {add = true} : memref<10240xf32, #tpu.memory_space<vmem>>[vector<16xi32>], vector<16xf32>,
      }
      %scan3A_47 = arith.constant 32 : i32
    } else {
    }
    %mul3A_32 = arith.constant 10240 : i32
    %mul3A_33 = arith.muli %add3A, %mul3A_32 : i32
    "tpu.region"() ({
      %run_scoped3A = tpu.sem_alloc : memref<!tpu.dma_semaphore, #tpu.memory_space<semaphore_mem>>
      %dma_start3A_36 = tpu.memref_slice %arg4[%mul3A_33] : memref<327680xf32, #tpu.memory_space<hbm>> -> memref<10240xf32, #tpu.memory_space<hbm>>
      %dma_start3A_37 = tpu.memref_slice %arg4[%mul3A_33] : memref<327680xf32, #tpu.memory_space<hbm>> -> memref<10240xf32, #tpu.memory_space<hbm>>
      tpu.enqueue_dma source(%arg9 : memref<10240xf32, #tpu.memory_space<vmem>>) target(%dma_start3A_37 : memref<10240xf32, #tpu.memory_space<hbm>>) target_semaphore(%run_scoped3A : memref<!tpu.dma_semaphore, #tpu.memory_space<semaphore_mem>>)
      %dma_wait3A_38 = tpu.memref_slice %arg4[%mul3A_33] : memref<327680xf32, #tpu.memory_space<hbm>> -> memref<10240xf32, #tpu.memory_space<hbm>>
      %dma_wait3A_39 = tpu.memref_slice %arg4[%mul3A_33] : memref<327680xf32, #tpu.memory_space<hbm>> -> memref<10240xf32, #tpu.memory_space<hbm>>
      tpu.wait_dma2 semaphore(%run_scoped3A : memref<!tpu.dma_semaphore, #tpu.memory_space<semaphore_mem>>) src(%arg9 : memref<10240xf32, #tpu.memory_space<vmem>>) dst(%dma_wait3A_39 : memref<10240xf32, #tpu.memory_space<hbm>>)
      tpu.yield
    }) : () -> ()
    %mul3A_34 = arith.constant 10240 : i32
    %mul3A_35 = arith.muli %add3A, %mul3A_34 : i32
    "tpu.region"() ({
      %run_scoped3A = tpu.sem_alloc : memref<!tpu.dma_semaphore, #tpu.memory_space<semaphore_mem>>
      %dma_start3A_36 = tpu.memref_slice %arg5[%mul3A_35] : memref<327680xf32, #tpu.memory_space<hbm>> -> memref<10240xf32, #tpu.memory_space<hbm>>
      %dma_start3A_37 = tpu.memref_slice %arg5[%mul3A_35] : memref<327680xf32, #tpu.memory_space<hbm>> -> memref<10240xf32, #tpu.memory_space<hbm>>
      tpu.enqueue_dma source(%arg10 : memref<10240xf32, #tpu.memory_space<vmem>>) target(%dma_start3A_37 : memref<10240xf32, #tpu.memory_space<hbm>>) target_semaphore(%run_scoped3A : memref<!tpu.dma_semaphore, #tpu.memory_space<semaphore_mem>>)
      %dma_wait3A_38 = tpu.memref_slice %arg5[%mul3A_35] : memref<327680xf32, #tpu.memory_space<hbm>> -> memref<10240xf32, #tpu.memory_space<hbm>>
      %dma_wait3A_39 = tpu.memref_slice %arg5[%mul3A_35] : memref<327680xf32, #tpu.memory_space<hbm>> -> memref<10240xf32, #tpu.memory_space<hbm>>
      tpu.wait_dma2 semaphore(%run_scoped3A : memref<!tpu.dma_semaphore, #tpu.memory_space<semaphore_mem>>) src(%arg10 : memref<10240xf32, #tpu.memory_space<vmem>>) dst(%dma_wait3A_39 : memref<10240xf32, #tpu.memory_space<hbm>>)
      tpu.yield
    }) : () -> ()
    return
  }
}

module attributes {stable_mosaic.version = 14 : i64} {
  func.func @_dense_body(%arg0: memref<327680xf32, #tpu.memory_space<vmem>>, %arg1: memref<327680xf32, #tpu.memory_space<vmem>>, %arg2: memref<10000x128xf32, #tpu.memory_space<vmem>>, %arg3: memref<10000x128xf32, #tpu.memory_space<vmem>>, %arg4: memref<128x64xf32, #tpu.memory_space<vmem>>, %arg5: memref<1x64xf32, #tpu.memory_space<vmem>>, %arg6: memref<128x64xf32, #tpu.memory_space<vmem>>, %arg7: memref<1x64xf32, #tpu.memory_space<vmem>>, %arg8: memref<128x64xf32, #tpu.memory_space<vmem>>, %arg9: memref<1x64xf32, #tpu.memory_space<vmem>>, %arg10: memref<64x1xf32, #tpu.memory_space<vmem>>, %arg11: memref<1x1xf32, #tpu.memory_space<vmem>>, %arg12: memref<782x128xi32, #tpu.memory_space<vmem>>, %arg13: memref<782x128xi32, #tpu.memory_space<vmem>>, %arg14: memref<782x128xf32, #tpu.memory_space<vmem>>) attributes {dimension_semantics = [], scalar_prefetch = 0 : i64, scratch_operands = 0 : i64, tpu.core_type = #tpu.core_type<tc>} {
    %get3A = arith.constant 0 : index
    %get3A_0 = vector.load %arg0[%get3A] : memref<327680xf32, #tpu.memory_space<vmem>>, vector<10000xf32>
    %get3A_1 = arith.constant 0 : index
    %get3A_2 = vector.load %arg1[%get3A_1] : memref<327680xf32, #tpu.memory_space<vmem>>, vector<10000xf32>
    %get3A_3 = arith.constant 10240 : index
    %get3A_4 = vector.load %arg0[%get3A_3] : memref<327680xf32, #tpu.memory_space<vmem>>, vector<10000xf32>
    %add3A = arith.addf %get3A_0, %get3A_4 : vector<10000xf32>
    %get3A_5 = arith.constant 10240 : index
    %get3A_6 = vector.load %arg1[%get3A_5] : memref<327680xf32, #tpu.memory_space<vmem>>, vector<10000xf32>
    %add3A_7 = arith.addf %get3A_2, %get3A_6 : vector<10000xf32>
    %get3A_8 = arith.constant 20480 : index
    %get3A_9 = vector.load %arg0[%get3A_8] : memref<327680xf32, #tpu.memory_space<vmem>>, vector<10000xf32>
    %add3A_10 = arith.addf %add3A, %get3A_9 : vector<10000xf32>
    %get3A_11 = arith.constant 20480 : index
    %get3A_12 = vector.load %arg1[%get3A_11] : memref<327680xf32, #tpu.memory_space<vmem>>, vector<10000xf32>
    %add3A_13 = arith.addf %add3A_7, %get3A_12 : vector<10000xf32>
    %get3A_14 = arith.constant 30720 : index
    %get3A_15 = vector.load %arg0[%get3A_14] : memref<327680xf32, #tpu.memory_space<vmem>>, vector<10000xf32>
    %add3A_16 = arith.addf %add3A_10, %get3A_15 : vector<10000xf32>
    %get3A_17 = arith.constant 30720 : index
    %get3A_18 = vector.load %arg1[%get3A_17] : memref<327680xf32, #tpu.memory_space<vmem>>, vector<10000xf32>
    %add3A_19 = arith.addf %add3A_13, %get3A_18 : vector<10000xf32>
    %get3A_20 = arith.constant 40960 : index
    %get3A_21 = vector.load %arg0[%get3A_20] : memref<327680xf32, #tpu.memory_space<vmem>>, vector<10000xf32>
    %add3A_22 = arith.addf %add3A_16, %get3A_21 : vector<10000xf32>
    %get3A_23 = arith.constant 40960 : index
    %get3A_24 = vector.load %arg1[%get3A_23] : memref<327680xf32, #tpu.memory_space<vmem>>, vector<10000xf32>
    %add3A_25 = arith.addf %add3A_19, %get3A_24 : vector<10000xf32>
    %get3A_26 = arith.constant 51200 : index
    %get3A_27 = vector.load %arg0[%get3A_26] : memref<327680xf32, #tpu.memory_space<vmem>>, vector<10000xf32>
    %add3A_28 = arith.addf %add3A_22, %get3A_27 : vector<10000xf32>
    %get3A_29 = arith.constant 51200 : index
    %get3A_30 = vector.load %arg1[%get3A_29] : memref<327680xf32, #tpu.memory_space<vmem>>, vector<10000xf32>
    %add3A_31 = arith.addf %add3A_25, %get3A_30 : vector<10000xf32>
    %get3A_32 = arith.constant 61440 : index
    %get3A_33 = vector.load %arg0[%get3A_32] : memref<327680xf32, #tpu.memory_space<vmem>>, vector<10000xf32>
    %add3A_34 = arith.addf %add3A_28, %get3A_33 : vector<10000xf32>
    %get3A_35 = arith.constant 61440 : index
    %get3A_36 = vector.load %arg1[%get3A_35] : memref<327680xf32, #tpu.memory_space<vmem>>, vector<10000xf32>
    %add3A_37 = arith.addf %add3A_31, %get3A_36 : vector<10000xf32>
    %get3A_38 = arith.constant 71680 : index
    %get3A_39 = vector.load %arg0[%get3A_38] : memref<327680xf32, #tpu.memory_space<vmem>>, vector<10000xf32>
    %add3A_40 = arith.addf %add3A_34, %get3A_39 : vector<10000xf32>
    %get3A_41 = arith.constant 71680 : index
    %get3A_42 = vector.load %arg1[%get3A_41] : memref<327680xf32, #tpu.memory_space<vmem>>, vector<10000xf32>
    %add3A_43 = arith.addf %add3A_37, %get3A_42 : vector<10000xf32>
    %get3A_44 = arith.constant 81920 : index
    %get3A_45 = vector.load %arg0[%get3A_44] : memref<327680xf32, #tpu.memory_space<vmem>>, vector<10000xf32>
    %add3A_46 = arith.addf %add3A_40, %get3A_45 : vector<10000xf32>
    %get3A_47 = arith.constant 81920 : index
    %get3A_48 = vector.load %arg1[%get3A_47] : memref<327680xf32, #tpu.memory_space<vmem>>, vector<10000xf32>
    %add3A_49 = arith.addf %add3A_43, %get3A_48 : vector<10000xf32>
    %get3A_50 = arith.constant 92160 : index
    %get3A_51 = vector.load %arg0[%get3A_50] : memref<327680xf32, #tpu.memory_space<vmem>>, vector<10000xf32>
    %add3A_52 = arith.addf %add3A_46, %get3A_51 : vector<10000xf32>
    %get3A_53 = arith.constant 92160 : index
    %get3A_54 = vector.load %arg1[%get3A_53] : memref<327680xf32, #tpu.memory_space<vmem>>, vector<10000xf32>
    %add3A_55 = arith.addf %add3A_49, %get3A_54 : vector<10000xf32>
    %get3A_56 = arith.constant 102400 : index
    %get3A_57 = vector.load %arg0[%get3A_56] : memref<327680xf32, #tpu.memory_space<vmem>>, vector<10000xf32>
    %add3A_58 = arith.addf %add3A_52, %get3A_57 : vector<10000xf32>
    %get3A_59 = arith.constant 102400 : index
    %get3A_60 = vector.load %arg1[%get3A_59] : memref<327680xf32, #tpu.memory_space<vmem>>, vector<10000xf32>
    %add3A_61 = arith.addf %add3A_55, %get3A_60 : vector<10000xf32>
    %get3A_62 = arith.constant 112640 : index
    %get3A_63 = vector.load %arg0[%get3A_62] : memref<327680xf32, #tpu.memory_space<vmem>>, vector<10000xf32>
    %add3A_64 = arith.addf %add3A_58, %get3A_63 : vector<10000xf32>
    %get3A_65 = arith.constant 112640 : index
    %get3A_66 = vector.load %arg1[%get3A_65] : memref<327680xf32, #tpu.memory_space<vmem>>, vector<10000xf32>
    %add3A_67 = arith.addf %add3A_61, %get3A_66 : vector<10000xf32>
    %get3A_68 = arith.constant 122880 : index
    %get3A_69 = vector.load %arg0[%get3A_68] : memref<327680xf32, #tpu.memory_space<vmem>>, vector<10000xf32>
    %add3A_70 = arith.addf %add3A_64, %get3A_69 : vector<10000xf32>
    %get3A_71 = arith.constant 122880 : index
    %get3A_72 = vector.load %arg1[%get3A_71] : memref<327680xf32, #tpu.memory_space<vmem>>, vector<10000xf32>
    %add3A_73 = arith.addf %add3A_67, %get3A_72 : vector<10000xf32>
    %get3A_74 = arith.constant 133120 : index
    %get3A_75 = vector.load %arg0[%get3A_74] : memref<327680xf32, #tpu.memory_space<vmem>>, vector<10000xf32>
    %add3A_76 = arith.addf %add3A_70, %get3A_75 : vector<10000xf32>
    %get3A_77 = arith.constant 133120 : index
    %get3A_78 = vector.load %arg1[%get3A_77] : memref<327680xf32, #tpu.memory_space<vmem>>, vector<10000xf32>
    %add3A_79 = arith.addf %add3A_73, %get3A_78 : vector<10000xf32>
    %get3A_80 = arith.constant 143360 : index
    %get3A_81 = vector.load %arg0[%get3A_80] : memref<327680xf32, #tpu.memory_space<vmem>>, vector<10000xf32>
    %add3A_82 = arith.addf %add3A_76, %get3A_81 : vector<10000xf32>
    %get3A_83 = arith.constant 143360 : index
    %get3A_84 = vector.load %arg1[%get3A_83] : memref<327680xf32, #tpu.memory_space<vmem>>, vector<10000xf32>
    %add3A_85 = arith.addf %add3A_79, %get3A_84 : vector<10000xf32>
    %get3A_86 = arith.constant 153600 : index
    %get3A_87 = vector.load %arg0[%get3A_86] : memref<327680xf32, #tpu.memory_space<vmem>>, vector<10000xf32>
    %add3A_88 = arith.addf %add3A_82, %get3A_87 : vector<10000xf32>
    %get3A_89 = arith.constant 153600 : index
    %get3A_90 = vector.load %arg1[%get3A_89] : memref<327680xf32, #tpu.memory_space<vmem>>, vector<10000xf32>
    %add3A_91 = arith.addf %add3A_85, %get3A_90 : vector<10000xf32>
    %get3A_92 = arith.constant 163840 : index
    %get3A_93 = vector.load %arg0[%get3A_92] : memref<327680xf32, #tpu.memory_space<vmem>>, vector<10000xf32>
    %add3A_94 = arith.addf %add3A_88, %get3A_93 : vector<10000xf32>
    %get3A_95 = arith.constant 163840 : index
    %get3A_96 = vector.load %arg1[%get3A_95] : memref<327680xf32, #tpu.memory_space<vmem>>, vector<10000xf32>
    %add3A_97 = arith.addf %add3A_91, %get3A_96 : vector<10000xf32>
    %get3A_98 = arith.constant 174080 : index
    %get3A_99 = vector.load %arg0[%get3A_98] : memref<327680xf32, #tpu.memory_space<vmem>>, vector<10000xf32>
    %add3A_100 = arith.addf %add3A_94, %get3A_99 : vector<10000xf32>
    %get3A_101 = arith.constant 174080 : index
    %get3A_102 = vector.load %arg1[%get3A_101] : memref<327680xf32, #tpu.memory_space<vmem>>, vector<10000xf32>
    %add3A_103 = arith.addf %add3A_97, %get3A_102 : vector<10000xf32>
    %get3A_104 = arith.constant 184320 : index
    %get3A_105 = vector.load %arg0[%get3A_104] : memref<327680xf32, #tpu.memory_space<vmem>>, vector<10000xf32>
    %add3A_106 = arith.addf %add3A_100, %get3A_105 : vector<10000xf32>
    %get3A_107 = arith.constant 184320 : index
    %get3A_108 = vector.load %arg1[%get3A_107] : memref<327680xf32, #tpu.memory_space<vmem>>, vector<10000xf32>
    %add3A_109 = arith.addf %add3A_103, %get3A_108 : vector<10000xf32>
    %get3A_110 = arith.constant 194560 : index
    %get3A_111 = vector.load %arg0[%get3A_110] : memref<327680xf32, #tpu.memory_space<vmem>>, vector<10000xf32>
    %add3A_112 = arith.addf %add3A_106, %get3A_111 : vector<10000xf32>
    %get3A_113 = arith.constant 194560 : index
    %get3A_114 = vector.load %arg1[%get3A_113] : memref<327680xf32, #tpu.memory_space<vmem>>, vector<10000xf32>
    %add3A_115 = arith.addf %add3A_109, %get3A_114 : vector<10000xf32>
    %get3A_116 = arith.constant 204800 : index
    %get3A_117 = vector.load %arg0[%get3A_116] : memref<327680xf32, #tpu.memory_space<vmem>>, vector<10000xf32>
    %add3A_118 = arith.addf %add3A_112, %get3A_117 : vector<10000xf32>
    %get3A_119 = arith.constant 204800 : index
    %get3A_120 = vector.load %arg1[%get3A_119] : memref<327680xf32, #tpu.memory_space<vmem>>, vector<10000xf32>
    %add3A_121 = arith.addf %add3A_115, %get3A_120 : vector<10000xf32>
    %get3A_122 = arith.constant 215040 : index
    %get3A_123 = vector.load %arg0[%get3A_122] : memref<327680xf32, #tpu.memory_space<vmem>>, vector<10000xf32>
    %add3A_124 = arith.addf %add3A_118, %get3A_123 : vector<10000xf32>
    %get3A_125 = arith.constant 215040 : index
    %get3A_126 = vector.load %arg1[%get3A_125] : memref<327680xf32, #tpu.memory_space<vmem>>, vector<10000xf32>
    %add3A_127 = arith.addf %add3A_121, %get3A_126 : vector<10000xf32>
    %get3A_128 = arith.constant 225280 : index
    %get3A_129 = vector.load %arg0[%get3A_128] : memref<327680xf32, #tpu.memory_space<vmem>>, vector<10000xf32>
    %add3A_130 = arith.addf %add3A_124, %get3A_129 : vector<10000xf32>
    %get3A_131 = arith.constant 225280 : index
    %get3A_132 = vector.load %arg1[%get3A_131] : memref<327680xf32, #tpu.memory_space<vmem>>, vector<10000xf32>
    %add3A_133 = arith.addf %add3A_127, %get3A_132 : vector<10000xf32>
    %get3A_134 = arith.constant 235520 : index
    %get3A_135 = vector.load %arg0[%get3A_134] : memref<327680xf32, #tpu.memory_space<vmem>>, vector<10000xf32>
    %add3A_136 = arith.addf %add3A_130, %get3A_135 : vector<10000xf32>
    %get3A_137 = arith.constant 235520 : index
    %get3A_138 = vector.load %arg1[%get3A_137] : memref<327680xf32, #tpu.memory_space<vmem>>, vector<10000xf32>
    %add3A_139 = arith.addf %add3A_133, %get3A_138 : vector<10000xf32>
    %get3A_140 = arith.constant 245760 : index
    %get3A_141 = vector.load %arg0[%get3A_140] : memref<327680xf32, #tpu.memory_space<vmem>>, vector<10000xf32>
    %add3A_142 = arith.addf %add3A_136, %get3A_141 : vector<10000xf32>
    %get3A_143 = arith.constant 245760 : index
    %get3A_144 = vector.load %arg1[%get3A_143] : memref<327680xf32, #tpu.memory_space<vmem>>, vector<10000xf32>
    %add3A_145 = arith.addf %add3A_139, %get3A_144 : vector<10000xf32>
    %get3A_146 = arith.constant 256000 : index
    %get3A_147 = vector.load %arg0[%get3A_146] : memref<327680xf32, #tpu.memory_space<vmem>>, vector<10000xf32>
    %add3A_148 = arith.addf %add3A_142, %get3A_147 : vector<10000xf32>
    %get3A_149 = arith.constant 256000 : index
    %get3A_150 = vector.load %arg1[%get3A_149] : memref<327680xf32, #tpu.memory_space<vmem>>, vector<10000xf32>
    %add3A_151 = arith.addf %add3A_145, %get3A_150 : vector<10000xf32>
    %get3A_152 = arith.constant 266240 : index
    %get3A_153 = vector.load %arg0[%get3A_152] : memref<327680xf32, #tpu.memory_space<vmem>>, vector<10000xf32>
    %add3A_154 = arith.addf %add3A_148, %get3A_153 : vector<10000xf32>
    %get3A_155 = arith.constant 266240 : index
    %get3A_156 = vector.load %arg1[%get3A_155] : memref<327680xf32, #tpu.memory_space<vmem>>, vector<10000xf32>
    %add3A_157 = arith.addf %add3A_151, %get3A_156 : vector<10000xf32>
    %get3A_158 = arith.constant 276480 : index
    %get3A_159 = vector.load %arg0[%get3A_158] : memref<327680xf32, #tpu.memory_space<vmem>>, vector<10000xf32>
    %add3A_160 = arith.addf %add3A_154, %get3A_159 : vector<10000xf32>
    %get3A_161 = arith.constant 276480 : index
    %get3A_162 = vector.load %arg1[%get3A_161] : memref<327680xf32, #tpu.memory_space<vmem>>, vector<10000xf32>
    %add3A_163 = arith.addf %add3A_157, %get3A_162 : vector<10000xf32>
    %get3A_164 = arith.constant 286720 : index
    %get3A_165 = vector.load %arg0[%get3A_164] : memref<327680xf32, #tpu.memory_space<vmem>>, vector<10000xf32>
    %add3A_166 = arith.addf %add3A_160, %get3A_165 : vector<10000xf32>
    %get3A_167 = arith.constant 286720 : index
    %get3A_168 = vector.load %arg1[%get3A_167] : memref<327680xf32, #tpu.memory_space<vmem>>, vector<10000xf32>
    %add3A_169 = arith.addf %add3A_163, %get3A_168 : vector<10000xf32>
    %get3A_170 = arith.constant 296960 : index
    %get3A_171 = vector.load %arg0[%get3A_170] : memref<327680xf32, #tpu.memory_space<vmem>>, vector<10000xf32>
    %add3A_172 = arith.addf %add3A_166, %get3A_171 : vector<10000xf32>
    %get3A_173 = arith.constant 296960 : index
    %get3A_174 = vector.load %arg1[%get3A_173] : memref<327680xf32, #tpu.memory_space<vmem>>, vector<10000xf32>
    %add3A_175 = arith.addf %add3A_169, %get3A_174 : vector<10000xf32>
    %get3A_176 = arith.constant 307200 : index
    %get3A_177 = vector.load %arg0[%get3A_176] : memref<327680xf32, #tpu.memory_space<vmem>>, vector<10000xf32>
    %add3A_178 = arith.addf %add3A_172, %get3A_177 : vector<10000xf32>
    %get3A_179 = arith.constant 307200 : index
    %get3A_180 = vector.load %arg1[%get3A_179] : memref<327680xf32, #tpu.memory_space<vmem>>, vector<10000xf32>
    %add3A_181 = arith.addf %add3A_175, %get3A_180 : vector<10000xf32>
    %get3A_182 = arith.constant 317440 : index
    %get3A_183 = vector.load %arg0[%get3A_182] : memref<327680xf32, #tpu.memory_space<vmem>>, vector<10000xf32>
    %add3A_184 = arith.addf %add3A_178, %get3A_183 : vector<10000xf32>
    %get3A_185 = arith.constant 317440 : index
    %get3A_186 = vector.load %arg1[%get3A_185] : memref<327680xf32, #tpu.memory_space<vmem>>, vector<10000xf32>
    %add3A_187 = arith.addf %add3A_181, %get3A_186 : vector<10000xf32>
    %get3A_188 = arith.constant 0 : index
    %get3A_189 = arith.constant 0 : index
    %get3A_190 = vector.load %arg2[%get3A_188, %get3A_189] : memref<10000x128xf32, #tpu.memory_space<vmem>>, vector<10000x128xf32>
    %broadcast_in_dim3A = vector.shape_cast %add3A_184 : vector<10000xf32> to vector<10000x1xf32>
    %mul3A = vector.broadcast %broadcast_in_dim3A : vector<10000x1xf32> to vector<10000x128xf32>
    %mul3A_191 = arith.mulf %get3A_190, %mul3A : vector<10000x128xf32>
    %reduce_sum3A = arith.constant dense<0.000000e+00> : vector<128xf32>
    %reduce_sum3A_192 = vector.multi_reduction <add>, %mul3A_191, %reduce_sum3A [0] : vector<10000x128xf32> to vector<128xf32>
    %broadcast_in_dim3A_193 = vector.shape_cast %reduce_sum3A_192 : vector<128xf32> to vector<1x128xf32>
    %mul3A_194 = arith.constant 3.125000e-06 : f32
    %mul3A_195 = vector.broadcast %mul3A_194 : f32 to vector<1x128xf32>
    %mul3A_196 = arith.mulf %broadcast_in_dim3A_193, %mul3A_195 : vector<1x128xf32>
    %get3A_197 = arith.constant 0 : index
    %get3A_198 = arith.constant 0 : index
    %get3A_199 = vector.load %arg3[%get3A_197, %get3A_198] : memref<10000x128xf32, #tpu.memory_space<vmem>>, vector<10000x128xf32>
    %broadcast_in_dim3A_200 = vector.shape_cast %add3A_187 : vector<10000xf32> to vector<10000x1xf32>
    %mul3A_201 = vector.broadcast %broadcast_in_dim3A_200 : vector<10000x1xf32> to vector<10000x128xf32>
    %mul3A_202 = arith.mulf %get3A_199, %mul3A_201 : vector<10000x128xf32>
    %reduce_sum3A_203 = arith.constant dense<0.000000e+00> : vector<128xf32>
    %reduce_sum3A_204 = vector.multi_reduction <add>, %mul3A_202, %reduce_sum3A_203 [0] : vector<10000x128xf32> to vector<128xf32>
    %broadcast_in_dim3A_205 = vector.shape_cast %reduce_sum3A_204 : vector<128xf32> to vector<1x128xf32>
    %mul3A_206 = arith.constant 3.125000e-06 : f32
    %mul3A_207 = vector.broadcast %mul3A_206 : f32 to vector<1x128xf32>
    %mul3A_208 = arith.mulf %broadcast_in_dim3A_205, %mul3A_207 : vector<1x128xf32>
    %get3A_209 = arith.constant 0 : index
    %get3A_210 = arith.constant 0 : index
    %get3A_211 = vector.load %arg4[%get3A_209, %get3A_210] : memref<128x64xf32, #tpu.memory_space<vmem>>, vector<128x64xf32>
    %dot_general3A = arith.constant dense<0.000000e+00> : vector<1x64xf32>
    %dot_general3A_212 = tpu.matmul %mul3A_196, %get3A_211, %dot_general3A {dimension_numbers = #tpu.dot_dimension_numbers<[1], [0], [0], [1], [0, 0, 1, 1], [], []>, precision = #tpu.contract_precision<fp32>, transpose_lhs_hint = false} : vector<1x128xf32>, vector<128x64xf32>, vector<1x64xf32> -> vector<1x64xf32>
    %get3A_213 = arith.constant 0 : index
    %get3A_214 = arith.constant 0 : index
    %get3A_215 = vector.load %arg5[%get3A_213, %get3A_214] : memref<1x64xf32, #tpu.memory_space<vmem>>, vector<1x64xf32>
    %add3A_216 = arith.addf %dot_general3A_212, %get3A_215 : vector<1x64xf32>
    %get3A_217 = arith.constant 0 : index
    %get3A_218 = arith.constant 0 : index
    %get3A_219 = vector.load %arg6[%get3A_217, %get3A_218] : memref<128x64xf32, #tpu.memory_space<vmem>>, vector<128x64xf32>
    %dot_general3A_220 = arith.constant dense<0.000000e+00> : vector<1x64xf32>
    %dot_general3A_221 = tpu.matmul %mul3A_208, %get3A_219, %dot_general3A_220 {dimension_numbers = #tpu.dot_dimension_numbers<[1], [0], [0], [1], [0, 0, 1, 1], [], []>, precision = #tpu.contract_precision<fp32>, transpose_lhs_hint = false} : vector<1x128xf32>, vector<128x64xf32>, vector<1x64xf32> -> vector<1x64xf32>
    %get3A_222 = arith.constant 0 : index
    %get3A_223 = arith.constant 0 : index
    %get3A_224 = vector.load %arg7[%get3A_222, %get3A_223] : memref<1x64xf32, #tpu.memory_space<vmem>>, vector<1x64xf32>
    %add3A_225 = arith.addf %dot_general3A_221, %get3A_224 : vector<1x64xf32>
    %slice3A = vector.extract_strided_slice %add3A_187 {offsets = [0], sizes = [1], strides = [1]} : vector<10000xf32> to vector<1xf32>
    %reshape3A = vector.shape_cast %slice3A : vector<1xf32> to vector<1x1xf32>
    %mul3A_226 = arith.constant 3.125000e-06 : f32
    %mul3A_227 = vector.broadcast %mul3A_226 : f32 to vector<1x1xf32>
    %mul3A_228 = arith.mulf %reshape3A, %mul3A_227 : vector<1x1xf32>
    %slice3A_229 = vector.extract_strided_slice %add3A_184 {offsets = [0], sizes = [1], strides = [1]} : vector<10000xf32> to vector<1xf32>
    %reshape3A_230 = vector.shape_cast %slice3A_229 : vector<1xf32> to vector<1x1xf32>
    %mul3A_231 = arith.constant 3.125000e-06 : f32
    %mul3A_232 = vector.broadcast %mul3A_231 : f32 to vector<1x1xf32>
    %mul3A_233 = arith.mulf %reshape3A_230, %mul3A_232 : vector<1x1xf32>
    %mul3A_234 = arith.mulf %mul3A_228, %mul3A_233 : vector<1x1xf32>
    %max3A = arith.constant 0.000000e+00 : f32
    %max3A_235 = vector.broadcast %max3A : f32 to vector<1x64xf32>
    %max3A_236 = arith.maximumf %add3A_225, %max3A_235 : vector<1x64xf32>
    %mul3A_237 = vector.broadcast %mul3A_234 : vector<1x1xf32> to vector<1x64xf32>
    %mul3A_238 = arith.mulf %mul3A_237, %max3A_236 : vector<1x64xf32>
    %max3A_239 = arith.constant 0.000000e+00 : f32
    %max3A_240 = vector.broadcast %max3A_239 : f32 to vector<1x64xf32>
    %max3A_241 = arith.maximumf %add3A_216, %max3A_240 : vector<1x64xf32>
    %mul3A_242 = vector.broadcast %mul3A_234 : vector<1x1xf32> to vector<1x64xf32>
    %mul3A_243 = arith.mulf %mul3A_242, %max3A_241 : vector<1x64xf32>
    %broadcast_in_dim3A_244 = arith.constant 0.000000e+00 : f32
    %broadcast_in_dim3A_245 = vector.broadcast %broadcast_in_dim3A_244 : f32 to vector<1x64xf32>
    %concatenate3A = tpu.concatenate %broadcast_in_dim3A_245, %broadcast_in_dim3A_245 in 1 : vector<1x64xf32>, vector<1x64xf32> -> vector<1x128xf32>
    %concatenate3A_246 = tpu.concatenate %broadcast_in_dim3A_245, %mul3A_243 in 1 : vector<1x64xf32>, vector<1x64xf32> -> vector<1x128xf32>
    %concatenate3A_247 = tpu.concatenate %mul3A_238, %broadcast_in_dim3A_245 in 1 : vector<1x64xf32>, vector<1x64xf32> -> vector<1x128xf32>
    %concatenate3A_248 = tpu.concatenate %mul3A_238, %mul3A_243 in 1 : vector<1x64xf32>, vector<1x64xf32> -> vector<1x128xf32>
    %concatenate3A_249 = tpu.concatenate %concatenate3A, %concatenate3A_246, %concatenate3A_247, %concatenate3A_248 in 0 : vector<1x128xf32>, vector<1x128xf32>, vector<1x128xf32>, vector<1x128xf32> -> vector<4x128xf32>
    %get3A_250 = arith.constant 0 : index
    %get3A_251 = arith.constant 0 : index
    %get3A_252 = vector.load %arg8[%get3A_250, %get3A_251] : memref<128x64xf32, #tpu.memory_space<vmem>>, vector<128x64xf32>
    %dot_general3A_253 = arith.constant dense<0.000000e+00> : vector<4x64xf32>
    %dot_general3A_254 = tpu.matmul %concatenate3A_249, %get3A_252, %dot_general3A_253 {dimension_numbers = #tpu.dot_dimension_numbers<[1], [0], [0], [1], [0, 0, 1, 1], [], []>, precision = #tpu.contract_precision<fp32>, transpose_lhs_hint = false} : vector<4x128xf32>, vector<128x64xf32>, vector<4x64xf32> -> vector<4x64xf32>
    %get3A_255 = arith.constant 0 : index
    %get3A_256 = arith.constant 0 : index
    %get3A_257 = vector.load %arg9[%get3A_255, %get3A_256] : memref<1x64xf32, #tpu.memory_space<vmem>>, vector<1x64xf32>
    %add3A_258 = vector.broadcast %get3A_257 : vector<1x64xf32> to vector<4x64xf32>
    %add3A_259 = arith.addf %dot_general3A_254, %add3A_258 : vector<4x64xf32>
    %max3A_260 = arith.constant 0.000000e+00 : f32
    %max3A_261 = vector.broadcast %max3A_260 : f32 to vector<4x64xf32>
    %max3A_262 = arith.maximumf %add3A_259, %max3A_261 : vector<4x64xf32>
    %get3A_263 = arith.constant 0 : index
    %get3A_264 = arith.constant 0 : index
    %get3A_265 = vector.load %arg10[%get3A_263, %get3A_264] : memref<64x1xf32, #tpu.memory_space<vmem>>, vector<64x1xf32>
    %dot_general3A_266 = arith.constant dense<0.000000e+00> : vector<4x1xf32>
    %dot_general3A_267 = tpu.matmul %max3A_262, %get3A_265, %dot_general3A_266 {dimension_numbers = #tpu.dot_dimension_numbers<[1], [0], [0], [1], [0, 0, 1, 1], [], []>, precision = #tpu.contract_precision<fp32>, transpose_lhs_hint = false} : vector<4x64xf32>, vector<64x1xf32>, vector<4x1xf32> -> vector<4x1xf32>
    %get3A_268 = arith.constant 0 : index
    %get3A_269 = arith.constant 0 : index
    %get3A_270 = vector.load %arg11[%get3A_268, %get3A_269] : memref<1x1xf32, #tpu.memory_space<vmem>>, vector<1x1xf32>
    %add3A_271 = vector.broadcast %get3A_270 : vector<1x1xf32> to vector<4x1xf32>
    %add3A_272 = arith.addf %dot_general3A_267, %add3A_271 : vector<4x1xf32>
    %logistic3A = arith.negf %add3A_272 : vector<4x1xf32>
    %logistic3A_273 = math.exp %logistic3A : vector<4x1xf32>
    %logistic3A_274 = arith.constant 1.000000e+00 : f32
    %logistic3A_275 = vector.broadcast %logistic3A_274 : f32 to vector<4x1xf32>
    %logistic3A_276 = arith.addf %logistic3A_275, %logistic3A_273 : vector<4x1xf32>
    %logistic3A_277 = arith.divf %logistic3A_275, %logistic3A_276 : vector<4x1xf32>
    %slice3A_278 = vector.extract_strided_slice %logistic3A_277 {offsets = [0, 0], sizes = [1, 1], strides = [1, 1]} : vector<4x1xf32> to vector<1x1xf32>
    %slice3A_279 = vector.extract_strided_slice %logistic3A_277 {offsets = [1, 0], sizes = [1, 1], strides = [1, 1]} : vector<4x1xf32> to vector<1x1xf32>
    %slice3A_280 = vector.extract_strided_slice %logistic3A_277 {offsets = [2, 0], sizes = [1, 1], strides = [1, 1]} : vector<4x1xf32> to vector<1x1xf32>
    %slice3A_281 = vector.extract_strided_slice %logistic3A_277 {offsets = [3, 0], sizes = [1, 1], strides = [1, 1]} : vector<4x1xf32> to vector<1x1xf32>
    %get3A_282 = arith.constant 0 : index
    %get3A_283 = arith.constant 0 : index
    %get3A_284 = vector.load %arg12[%get3A_282, %get3A_283] : memref<782x128xi32, #tpu.memory_space<vmem>>, vector<782x128xi32>
    %eq3A = arith.constant 0 : i32
    %eq3A_285 = vector.broadcast %eq3A : i32 to vector<782x128xi32>
    %eq3A_286 = arith.cmpi eq, %get3A_284, %eq3A_285 : vector<782x128xi32>
    %get3A_287 = arith.constant 0 : index
    %get3A_288 = arith.constant 0 : index
    %get3A_289 = vector.load %arg13[%get3A_287, %get3A_288] : memref<782x128xi32, #tpu.memory_space<vmem>>, vector<782x128xi32>
    %eq3A_290 = arith.constant 0 : i32
    %eq3A_291 = vector.broadcast %eq3A_290 : i32 to vector<782x128xi32>
    %eq3A_292 = arith.cmpi eq, %get3A_289, %eq3A_291 : vector<782x128xi32>
    %broadcast_in_dim3A_293 = vector.shape_cast %slice3A_281 : vector<1x1xf32> to vector<1x1xf32>
    %broadcast_in_dim3A_294 = vector.broadcast %broadcast_in_dim3A_293 : vector<1x1xf32> to vector<782x128xf32>
    %broadcast_in_dim3A_295 = vector.shape_cast %slice3A_280 : vector<1x1xf32> to vector<1x1xf32>
    %broadcast_in_dim3A_296 = vector.broadcast %broadcast_in_dim3A_295 : vector<1x1xf32> to vector<782x128xf32>
    %select_n3A = arith.select %eq3A_292, %broadcast_in_dim3A_294, %broadcast_in_dim3A_296 : vector<782x128xi1>, vector<782x128xf32>
    %broadcast_in_dim3A_297 = vector.shape_cast %slice3A_279 : vector<1x1xf32> to vector<1x1xf32>
    %broadcast_in_dim3A_298 = vector.broadcast %broadcast_in_dim3A_297 : vector<1x1xf32> to vector<782x128xf32>
    %broadcast_in_dim3A_299 = vector.shape_cast %slice3A_278 : vector<1x1xf32> to vector<1x1xf32>
    %broadcast_in_dim3A_300 = vector.broadcast %broadcast_in_dim3A_299 : vector<1x1xf32> to vector<782x128xf32>
    %select_n3A_301 = arith.select %eq3A_292, %broadcast_in_dim3A_298, %broadcast_in_dim3A_300 : vector<782x128xi1>, vector<782x128xf32>
    %select_n3A_302 = arith.select %eq3A_286, %select_n3A, %select_n3A_301 : vector<782x128xi1>, vector<782x128xf32>
    %swap3A = arith.constant 0 : index
    %swap3A_303 = arith.constant 0 : index
    %swap3A_304 = vector.load %arg14[%swap3A, %swap3A_303] : memref<782x128xf32, #tpu.memory_space<vmem>>, vector<782x128xf32>
    tpu.vector_store %arg14[%swap3A, %swap3A_303], %select_n3A_302 {strides = array<i32>} : memref<782x128xf32, #tpu.memory_space<vmem>>, vector<782x128xf32>,
    return
  }
}

</mosaic_0001>

<sc_bundles>
// kernel: kernel.4.cloned.1.call-start
scs
__scs_entry_jumppad:
0x0: {  	(pc) =	sbr.rel $0x88, $3  }
0x1: {  	(tag) =	ssettag $0x0;
	lr =	simm.s32 $0x1  }
0x2: {  	[smem:$0x3F94] =	sst lr;
	_ =	strace $0xD0000000  }
0x3: {  	_ = 	snop  }
0x4: {  	_ = 	snop  }
0x5: {  	_ = 	snop  }
0x6: {  	_ = 	snop  }
0x7: {  	_ = 	snop  }
__scs_overlays_trampoline_lowered:
0x8: {  	[smem:$0x3FA3] =	sst s0  }
0x9: {  	[smem:$0x3FA4] =	sst s1  }
0xa: {  	[smem:$0x3FA5] =	sst s2  }
0xb: {  	[smem:$0x3FA6] =	sst s3  }
0xc: {  	[smem:$0x3FA7] =	sst s4  }
0xd: {  	[smem:$0x3FA8] =	sst s5  }
0xe: {  	[smem:$0x3FA9] =	sst s6  }
0xf: {  	[smem:$0x3FAA] =	sst s7  }
0x10: {  	[smem:$0x3FAB] =	sst s8  }
0x11: {  	[smem:$0x3FAC] =	sst s9;
	s0 =	simm.s32 @!p0 $0x0  }
0x12: {  	s1 =	sld [smem:$0x3F92];
	s0 =	simm.s32 @p0 $0x1  }
0x13: {  	[smem:$0x3FAD] =	sst s0;
	s0 =	simm.s32 @!p1 $0x0  }
0x14: {  	s2 =	sld [smem:$0x3F91];
	s0 =	simm.s32 @p1 $0x1  }
0x15: {  	[smem:$0x3FAE] =	sst s0;
	s0 =	simm.s32 @!p2 $0x0  }
0x16: {  	s3 =	sld [smem:$0x3FDB];
	s0 =	simm.s32 @p2 $0x1  }
0x17: {  	s4 =	simm.s32 $0x1BF5;
	[smem:$0x3FB0] =	sst s0  }
0x18: {  	s0 =	sld [smem:$0x3F93];
	_ =	swait.ge [sflag:s4], $0x0  }
0x19: {  	s7 =	sld [smem:$0x3F94]  }
0x1a: {  	s8 =	sadd.s32 $0xFFFFE003, lr  }
0x1b: {  	s9 =	sadd.s32 $0xFFFFFEF7, lr;
	s5 =	simm.s32 $0xFFFFFFFF;
	p2 =	slt.u32 s8, $0xFFFFF086  }
0x1c: {  	p1 =	slt.u32 s9, $0xF7A;
	s5 =	simm.s32 @!p2 $0x0  }
0x1d: {  	s5 =	simm.s32 @p1 $0x1;
	p0 =	seq.s32 s7, s2  }
0x1e: {  	s7 =	smul.u32 @!p0 $0xF7A, s2;
	p2 =	seq.s32 @!p0 s5, $0x0  }
0x1f: {  	s9 =	smul.u32 $0xF7A, s1;
	s8 =	simm.s32 @!p0 $0x1BF5;
	p2 =	por !p2, p0  }
0x20: {  	[sflag:s8] =	ssyncset.s32 @!p0 $0xFFFFF086;
	s6 =	sadd.s32 @!p0 s3, s7;
	s7 =	simm.s32 @!p0 $0x108  }
0x21: {  	s3 =	sadd.s32 s3, s9;
	s6 =	sadd.s32 @!p0 $0x88, s6;
	s7 =	simm.s32 @p2 $0x1082  }
0x22: {  	[simem:s7], [sflag:s8] =	dma.local @!p0 [hbm:s6], $0xF7A  }
0x23: {  	s9 =	sor.u32 $0xD0000000, s2;
	s6 =	simm.s32 $0x108;
	_ =	swait.ge @!p0 [sflag:s8], $0x0  }
0x24: {  	s3 =	sadd.s32 $0x88, s3;
	s6 =	simm.s32 @!p1 $0x1082;
	[sflag:s4] =	ssyncset.s32 $0xFFFFF086  }
0x25: {  	[simem:s6], [sflag:s4] =	dma.local [hbm:s3], $0xF7A  }
0x26: {  	[smem:$0x3F94] =	sst s1;
	(tag) =	ssettag s2;
	_ =	strace s9  }
0x27: {  	s1 =	sld [smem:$0x3FA4]  }
0x28: {  	s2 =	sld [smem:$0x3FA5]  }
0x29: {  	s4 =	sld [smem:$0x3FA7]  }
0x2a: {  	p0 =	seq.s32 s5, $0x0;
	s5 =	sld [smem:$0x3FA8]  }
0x2b: {  	s6 =	sld [smem:$0x3FA9]  }
0x2c: {  	s7 =	sld [smem:$0x3FAA]  }
0x2d: {  	s3 =	simm.s32 $0x108;
	s8 =	sld [smem:$0x3FAB]  }
0x2e: {  	s3 =	simm.s32 @!p0 $0x1082;
	s9 =	sld [smem:$0x3FAC]  }
0x2f: {  	lr =	sadd.s32 s0, s3;
	s0 =	sld [smem:$0x3FA3]  }
0x30: {  	s3 =	sld [smem:$0x3FA6]  }
0x31: {  	[smem:$0x3FAF] =	sst s10  }
0x32: {  	s10 =	sld [smem:$0x3FAD];
	_ =	sdelay $0x3  }
0x33: {  	p0 =	seq.s32 s10, $0x1;
	s10 =	sld [smem:$0x3FAF];
	_ =	sdelay $0x3  }
0x34: {  	[smem:$0x3FAF] =	sst s10  }
0x35: {  	s10 =	sld [smem:$0x3FAE];
	_ =	sdelay $0x3  }
0x36: {  	p1 =	seq.s32 s10, $0x1;
	s10 =	sld [smem:$0x3FAF];
	_ =	sdelay $0x3  }
0x37: {  	[smem:$0x3FAF] =	sst s10  }
0x38: {  	s10 =	sld [smem:$0x3FB0]  }
0x39: {  	_ = 	snop;
	(pc) =	sbr.ind lr, $3  }
0x3a: {  	_ = 	snop  }
0x3b: {  	_ = 	snop  }
0x3c: {  	p2 =	seq.s32 s10, $0x1;
	s10 =	sld [smem:$0x3FAF]  }
0x3d: {  	_ =	shalt  }
0x3e: {  	_ =	shalt  }
0x3f: {  	_ =	shalt  }
0x40: {  	_ =	shalt  }
0x41: {  	_ =	shalt  }
0x42: {  	_ =	shalt  }
0x43: {  	_ =	shalt  }
0x44: {  	_ =	shalt  }
0x45: {  	_ =	shalt  }
0x46: {  	_ =	shalt  }
0x47: {  	_ =	shalt  }
0x48: {  	_ =	shalt  }
0x49: {  	_ =	shalt  }
0x4a: {  	_ =	shalt  }
0x4b: {  	_ =	shalt  }
0x4c: {  	_ =	shalt  }
0x4d: {  	_ =	shalt  }
0x4e: {  	_ =	shalt  }
0x4f: {  	_ =	shalt  }
0x50: {  	_ =	shalt  }
0x51: {  	_ =	shalt  }
0x52: {  	_ =	shalt  }
0x53: {  	_ =	shalt  }
0x54: {  	_ =	shalt  }
0x55: {  	_ =	shalt  }
0x56: {  	_ =	shalt  }
0x57: {  	_ =	shalt  }
0x58: {  	_ =	shalt  }
0x59: {  	_ =	shalt  }
0x5a: {  	_ =	shalt  }
0x5b: {  	_ =	shalt  }
0x5c: {  	_ =	shalt  }
0x5d: {  	_ =	shalt  }
0x5e: {  	_ =	shalt  }
0x5f: {  	_ =	shalt  }
0x60: {  	_ =	shalt  }
0x61: {  	_ =	shalt  }
0x62: {  	_ =	shalt  }
0x63: {  	_ =	shalt  }
0x64: {  	_ =	shalt  }
0x65: {  	_ =	shalt  }
0x66: {  	_ =	shalt  }
0x67: {  	_ =	shalt  }
0x68: {  	_ =	shalt  }
0x69: {  	_ =	shalt  }
0x6a: {  	_ =	shalt  }
0x6b: {  	_ =	shalt  }
0x6c: {  	_ =	shalt  }
0x6d: {  	_ =	shalt  }
0x6e: {  	_ =	shalt  }
0x6f: {  	_ =	shalt  }
0x70: {  	_ =	shalt  }
0x71: {  	_ =	shalt  }
0x72: {  	_ =	shalt  }
0x73: {  	_ =	shalt  }
0x74: {  	_ =	shalt  }
0x75: {  	_ =	shalt  }
0x76: {  	_ =	shalt  }
0x77: {  	_ =	shalt  }
0x78: {  	_ =	shalt  }
0x79: {  	_ =	shalt  }
0x7a: {  	_ =	shalt  }
0x7b: {  	_ =	shalt  }
0x7c: {  	_ =	shalt  }
0x7d: {  	_ =	shalt  }
0x7e: {  	_ =	shalt  }
0x7f: {  	_ =	shalt  }
0x80: {  	_ =	shalt  }
0x81: {  	_ =	shalt  }
0x82: {  	_ =	shalt  }
0x83: {  	_ =	shalt  }
0x84: {  	_ =	shalt  }
0x85: {  	_ =	shalt  }
0x86: {  	_ =	shalt  }
0x87: {  	_ =	shalt  }
.Lfunc_end0:
.L_simem_size_0:
called_computation_lowered:
.L_overlay_start_0:
0x88: {  	s2 =	sld [smem:$0x3FD9]  }
0x89: {  	s3 =	sld [smem:$0x3FFE];
	_ =	sdelay $0x1  }
0x8a: {  	s1 =	srdreg.scid  }
0x8b: {  	s0 =	sand.u32 $0x1, s1  }
0x8c: {  	s17 =	sshll.u32 s0, $0xA;
	s2 =	sadd.s32 s3, s2  }
0x8d: {  	s2 =	sadd.s32 s2, s17  }
0x8e: {  	[smem:$0x3FBB] =	sst s2  }
0x8f: {  	_ = 	snop  }
0x90: {  	s2 =	sld [smem:$0x3FC7]  }
0x91: {  	s18 =	sld [smem:$0x3FC6];
	(tm) =	ssettm $0x1  }
0x92: {  	s4 =	sld [smem:$0x3FFB];
	_ =	sdelay $0x3  }
0x93: {  	_ =	strace s4  }
0x94: {  	s4 =	sld [smem:$0x3FFC];
	_ =	sdelay $0x3  }
0x95: {  	_ =	strace s4  }
0x96: {  	s4 =	sld [smem:$0x3FFD];
	_ =	sdelay $0x3  }
0x97: {  	_ =	strace s4  }
0x98: {  	_ =	strace $0x8FFFFFFF  }
0x99: {  	s19 =	sld [smem:$0x3FDB];
	_ =	sdelay $0x1  }
0x9a: {  	s5 =	simm.s32 $_scs_section_size  }
0x9b: {  	s6 =	simm.s32 $_size__tile_overlayer_lowered;
	s7 =	simm.s32 $_tile_overlayer_lowered  }
0x9c: {  	s22 =	simm.s32 $0x1BFF;
	s21 =	sshll.u32 s7, $0x1;
	s4 =	sadd.s32 s5, s19  }
0x9d: {  	s8 =	simm.s32 $0x0;
	s20 =	sshll.u32 s6, $0x1;
	s6 =	sadd.s32 s21, s4  }
0x9e: {  	[timem:s8], [sflag:s22] =	dma.local [hbm:s6], s20  }
0x9f: {  	_ =	swait.ge [sflag:s22], s20  }
0xa0: {  	s5 =	ssub.s32 $0x0, s20;
	[sflag:s22] =	ssyncset.done $0x0  }
0xa1: {  	[sflag:s22] =	ssyncadd.s32 s5;
	_ =	sdelay $0x1  }
0xa2: {  	s23 =	simm.s32 $0x1B8B  }
0xa3: {  	_ =	swait.ge [sflag:s23], $0x1  }
0xa4: {  	[sflag:s23] =	ssyncset.done $0x0  }
0xa5: {  	s25 =	simm.s32 $0x1B8E;
	s24 =	sld [smem:$0x3FFE];
	[sflag:s23] =	ssyncadd.s32 $0xFFFFFFFF  }
0xa6: {  	s26 =	simm.s32 $execute0_lowered;
	[smem:$0x3FD2] =	sst s25  }
0xa7: {  	s6 =	sshll.u32 s26, $0x1;
	_ =	strace $0x80000046;
	[dreg:$0x1] =	wrdreg $0xFFFFFFFF  }
0xa8: {  	s28 =	simm.s32 $_size_execute0_lowered;
	s4 =	sadd.s32 s4, s6;
	[dreg:$0x0] =	wrdreg $0x0  }
0xa9: {  	s6 =	sshll.u32 s28, $0x1;
	[dreg:$0x2] =	wrdreg s4  }
0xaa: {  	[dreg:$0x3] =	wrdreg s6  }
0xab: {  	[dreg:$0x4] =	wrdreg $0xC0  }
0xac: {  	_ =	task [dreg:s8], $0x5FFFF  }
0xad: {  	[dreg:$0x1] =	wrdreg $0xFFFFFFFF  }
0xae: {  	[dreg:$0x0] =	wrdreg $0x60  }
0xaf: {  	[dreg:$0x2] =	wrdreg s2  }
0xb0: {  	[dreg:$0x3] =	wrdreg s18  }
0xb1: {  	[dreg:$0x4] =	wrdreg s24  }
0xb2: {  	[dreg:$0x5] =	wrdreg $0x9  }
0xb3: {  	_ =	task.clear_ibuf [dreg:s8], $0x6FFFF;
	_ =	strace $0x90000046  }
0xb4: {  	s29 =	simm.s32 $0x9;
	_ =	strace $0x80000048  }
0xb5: {  	_ =	swait.ge [sflag:s29], $0x1  }
0xb6: {  	[sflag:s29] =	ssyncadd.s32 $0xFFFFFFFF  }
0xb7: {  	_ =	strace $0x90000048  }
0xb8: {  	_ =	sfence  }
0xb9: {  	s30 =	sld [smem:$0x0];
	_ =	sdelay $0x2  }
0xba: {  	s31 =	sshll.u32 s1, $0xD;
	s1 =	sshrl.u32 s1, $0x2  }
0xbb: {  	s3 =	sand.u32 $0x4000, s31;
	s1 =	sadd.s32 s1, s30  }
0xbc: {  	s0 =	sor.u32 s3, s0;
	s1 =	sshll.u32 s1, $0x11  }
0xbd: {  	s0 =	sor.u32 s1, s0  }
0xbe: {  	s0 =	sadd.s32 $0x8F2B, s0  }
0xbf: {  	[sflag:s0] =	ssyncadd.remote.s32 $0x1  }
0xc0: {  	_ =	sfence.sel $0xFFFF  }
0xc1: {  	[dreg:$0x0] =	wrdreg $0xFFFFFFFF;
	(pc) =	sbr.abs _section_cstart, $3  }
0xc2: {  	[dreg:$0x1] =	wrdreg $0xFFFFFFFF  }
0xc3: {  	_ =	task.clear_ibuf [dreg:s8], $0x2FFFF;
	_ =	strace $0x9FFFFFFF  }
0xc4: {  	(tm) =	ssettm $0x7FFFFFFF  }
0xc5: {  	_ =	shalt  }
tec
execute0_lowered:
.L_overlay_start_1:
0x0: {  	(tag) =	ssettag $0x1  }
0x1: {  	s5 =	rddreg [dreg:$0x0]  }
0x2: {  	s6 =	rddreg [dreg:$0x1]  }
0x3: {  	s0 =	srdreg.scid;
	s4 =	rddreg [dreg:$0x2];
	s2 =	simm.s32 $0x0  }
0x4: {  	s11 =	simm.s32 $0x1;
	s12 =	simm.s32 $0xA000;
	s3 =	sand.u32 $0x1, s0  }
0x5: {  	s13 =	simm.s32 $0x2;
	s0 =	stileid.u32;
	s1 =	sshll.u32 s3, $0x4  }
0x6: {  	s14 =	simm.s32 $0xC800;
	s16 =	simm.s32 $0x3;
	s15 =	sor.u32 s0, s1  }
0x7: {  	s17 =	simm.s32 $0x0;
	[smem:$0x7FF] =	sst s2;
	s7 =	smul.u32 $0x500, s15  }
0x8: {  	s3 =	ssub.s32 $0x2, s3;
	s1 =	rddreg [dreg:$0x3];
	s8 =	smul.u32 $0x9C0, s15  }
.Ltmp0:
0x9: {  	_ =	strace $0x80000047;
	s9 =	sshrl.u32 s3, $0x1;
	(pc) =	sbr.rel .LBB2_1-.Ltmp0, $4  }
0xa: {  	s9 =	ssub.s32 s3, s9;
	p0 =	sne.s32 s15, $0x0;
	s15 =	simm.s32 $0x9C00  }
0xb: {  	s9 =	smax.u32 s9, $0x1;
	s10 =	sadd.s32 s7, s4;
	s3 =	sadd.s32 s5, s8  }
0xc: {  	s4 =	sadd.s32 s6, s8;
	s5 =	sadd.s32 $0x13800, s5;
	s6 =	sadd.s32 $0x13800, s6  }
0xd: {  	v0 =	vimm.f32 $0.0e+00;
	v1 =	vimm.f32 $1.000000000e+00;
	s7 =	sadd.s32 $0x2800, s10;
	s8 =	sadd.s32 $0xC800, s10;
	s10 =	simm.s32 $0x4E00  }
.LBB2_9:
0xe: {  	[hbm4b:s7+s2] =	stream.linear.scatter [tilespmem:s12], [sflag:$0x3], $0x2800, $0x38;
	[tilespmem:$0xF000] =	vst v63  }
0xf: {  	s17 =	sadd.s32 $0x1, s17;
	_ =	swait.ge [sflag:s16], $0x2800  }
0x10: {  	p1 =	sne.s32 s17, s9;
	[sflag:s16] =	ssyncset.done $0x0  }
.Ltmp1:
0x11: {  	[sflag:s16] =	ssyncadd.s32 $0xFFFFD800;
	(pc) =	sbr.rel @!p1 .LBB2_10-.Ltmp1, $4  }
0x12: {  	[hbm4b:s8+s2] =	stream.linear.scatter [tilespmem:s14], [sflag:$0x3], $0x2800, $0x38;
	[tilespmem:$0xF000] =	vst v63  }
0x13: {  	_ =	swait.ge [sflag:s16], $0x2800  }
0x14: {  	[sflag:s16] =	ssyncset.done $0x0  }
0x15: {  	[sflag:s16] =	ssyncadd.s32 $0xFFFFD800  }
.LBB2_1:
0x16: {  	[tilespmem:s2], [sflag:$0x1] =	stream.linear.gather [hbm4b:s3+s2], $0x4E00, $0x38;
	[tilespmem:$0xF000] =	vst v63  }
0x17: {  	s19 =	simm.s32 $0xA040  }
0x18: {  	[tilespmem:s10], [sflag:$0x2] =	stream.linear.gather [hbm4b:s4+s2], $0x4E00, $0x38;
	[tilespmem:$0xF000] =	vst v63  }
0x19: {  	s18 =	simm.s32 $0xC840;
	[tilespmem:s19+$0xFFFFFFC0] =	vst v0  }
0x1a: {  	[tilespmem:s18+$0xFFFFFFC0] =	vst v0  }
0x1b: {  	[tilespmem:s19+$0xFFFFFFD0] =	vst v0  }
0x1c: {  	[tilespmem:s18+$0xFFFFFFD0] =	vst v0  }
0x1d: {  	[tilespmem:s19+$0xFFFFFFE0] =	vst v0  }
0x1e: {  	[tilespmem:s18+$0xFFFFFFE0] =	vst v0  }
0x1f: {  	[tilespmem:s19+$0xFFFFFFF0] =	vst v0  }
0x20: {  	[tilespmem:s18+$0xFFFFFFF0] =	vst v0  }
0x21: {  	[tilespmem:s19+$0x0] =	vst v0  }
0x22: {  	[tilespmem:s18+$0x0] =	vst v0  }
0x23: {  	[tilespmem:s19+$0x10] =	vst v0  }
0x24: {  	[tilespmem:s18+$0x10] =	vst v0  }
0x25: {  	[tilespmem:s19+$0x20] =	vst v0  }
0x26: {  	[tilespmem:s18+$0x20] =	vst v0  }
0x27: {  	[tilespmem:s19+$0x30] =	vst v0  }
0x28: {  	s20 =	simm.s32 $0xA0C0;
	s19 =	simm.s32 $0x0;
	[tilespmem:s18+$0x30] =	vst v0  }
.LBB2_2:
0x29: {  	[tilespmem:s20+$0xFFFFFFC0] =	vst v0;
	s18 =	sadd.s32 $0x80, s18  }
0x2a: {  	[tilespmem:s18+$0xFFFFFFC0] =	vst v0  }
0x2b: {  	[tilespmem:s20+$0xFFFFFFD0] =	vst v0  }
0x2c: {  	[tilespmem:s18+$0xFFFFFFD0] =	vst v0  }
0x2d: {  	[tilespmem:s20+$0xFFFFFFE0] =	vst v0  }
0x2e: {  	[tilespmem:s18+$0xFFFFFFE0] =	vst v0  }
0x2f: {  	[tilespmem:s20+$0xFFFFFFF0] =	vst v0  }
0x30: {  	[tilespmem:s18+$0xFFFFFFF0] =	vst v0  }
0x31: {  	[tilespmem:s20+$0x0] =	vst v0  }
0x32: {  	s19 =	sadd.s32 $0x8, s19;
	[tilespmem:s18+$0x0] =	vst v0  }
0x33: {  	p1 =	slt.u32 s19, $0x278;
	[tilespmem:s20+$0x10] =	vst v0  }
.Ltmp2:
0x34: {  	[tilespmem:s18+$0x10] =	vst v0;
	(pc) =	sbr.rel @p1 .LBB2_2-.Ltmp2, $4  }
0x35: {  	[tilespmem:s20+$0x20] =	vst v0  }
0x36: {  	[tilespmem:s18+$0x20] =	vst v0  }
0x37: {  	[tilespmem:s20+$0x30] =	vst v0  }
0x38: {  	s20 =	sadd.s32 $0x80, s20;
	[tilespmem:s18+$0x30] =	vst v0  }
0x39: {  	_ =	swait.ge [sflag:s11], $0x4E00  }
0x3a: {  	[sflag:s11] =	ssyncset.done $0x0  }
0x3b: {  	s18 =	simm.s32 $0x40;
	[sflag:s11] =	ssyncadd.s32 $0xFFFFB200  }
0x3c: {  	v3 =	vld [tilespmem:s18+$0xFFFFFFC0]  }
0x3d: {  	v4 =	vld [tilespmem:s18+$0x30]  }
0x3e: {  	v5 =	vld [tilespmem:s18+$0x20]  }
0x3f: {  	v6 =	vld [tilespmem:s18+$0x10]  }
0x40: {  	v7 =	vld [tilespmem:s18+$0x0]  }
0x41: {  	v8 =	vld [tilespmem:s18+$0xFFFFFFF0]  }
0x42: {  	v9 =	vld [tilespmem:s18+$0xFFFFFFE0]  }
0x43: {  	v2 =	vld [tilespmem:s18+$0xFFFFFFD0]  }
0x44: {  	[tilespmem:v3+s12+$0x0] =	vst.idx.add.f32.msk $0xffff, v1  }
0x45: {  	[tilespmem:v4+s12+$0x0] =	vst.idx.add.f32.msk $0xffff, v1  }
0x46: {  	[tilespmem:v5+s12+$0x0] =	vst.idx.add.f32.msk $0xffff, v1  }
0x47: {  	[tilespmem:v6+s12+$0x0] =	vst.idx.add.f32.msk $0xffff, v1  }
0x48: {  	[tilespmem:v7+s12+$0x0] =	vst.idx.add.f32.msk $0xffff, v1  }
0x49: {  	[tilespmem:v8+s12+$0x0] =	vst.idx.add.f32.msk $0xffff, v1  }
0x4a: {  	s19 =	simm.s32 $0x0;
	[tilespmem:v9+s12+$0x0] =	vst.idx.add.f32.msk $0xffff, v1  }
.LBB2_4:
0x4b: {  	s19 =	sadd.s32 $0x8, s19;
	[tilespmem:v2+s12+$0x0] =	vst.idx.add.f32.msk $0xffff, v1;
	s18 =	sadd.s32 $0x100, s18  }
0x4c: {  	v3 =	vld [tilespmem:s18+$0xFFFFFFC0];
	p1 =	slt.u32 s19, $0x268  }
0x4d: {  	v4 =	vld [tilespmem:s18+$0x30]  }
0x4e: {  	v5 =	vld [tilespmem:s18+$0x20]  }
0x4f: {  	v6 =	vld [tilespmem:s18+$0x10]  }
0x50: {  	v7 =	vld [tilespmem:s18+$0x0]  }
0x51: {  	v8 =	vld [tilespmem:s18+$0xFFFFFFF0]  }
0x52: {  	v9 =	vld [tilespmem:s18+$0xFFFFFFE0]  }
0x53: {  	v2 =	vld [tilespmem:s18+$0xFFFFFFD0]  }
0x54: {  	[tilespmem:v3+s12+$0x0] =	vst.idx.add.f32.msk $0xffff, v1  }
0x55: {  	[tilespmem:v4+s12+$0x0] =	vst.idx.add.f32.msk $0xffff, v1  }
.Ltmp3:
0x56: {  	[tilespmem:v5+s12+$0x0] =	vst.idx.add.f32.msk $0xffff, v1;
	(pc) =	sbr.rel @p1 .LBB2_4-.Ltmp3, $4  }
0x57: {  	[tilespmem:v6+s12+$0x0] =	vst.idx.add.f32.msk $0xffff, v1  }
0x58: {  	[tilespmem:v7+s12+$0x0] =	vst.idx.add.f32.msk $0xffff, v1  }
0x59: {  	[tilespmem:v8+s12+$0x0] =	vst.idx.add.f32.msk $0xffff, v1  }
0x5a: {  	[tilespmem:v9+s12+$0x0] =	vst.idx.add.f32.msk $0xffff, v1  }
0x5b: {  	_ =	sdelay $0x3  }
0x5c: {  	[tilespmem:v2+s12+$0x0] =	vst.idx.add.f32.msk $0xffff, v1  }
0x5d: {  	_ =	swait.ge [sflag:s13], $0x4E00  }
0x5e: {  	[sflag:s13] =	ssyncset.done $0x0  }
0x5f: {  	s18 =	simm.s32 $0x4E40;
	[sflag:s13] =	ssyncadd.s32 $0xFFFFB200  }
0x60: {  	v3 =	vld [tilespmem:s18+$0xFFFFFFC0]  }
0x61: {  	v4 =	vld [tilespmem:s18+$0x30]  }
0x62: {  	v5 =	vld [tilespmem:s18+$0x20]  }
0x63: {  	v6 =	vld [tilespmem:s18+$0x10]  }
0x64: {  	v7 =	vld [tilespmem:s18+$0x0]  }
0x65: {  	v8 =	vld [tilespmem:s18+$0xFFFFFFF0]  }
0x66: {  	v9 =	vld [tilespmem:s18+$0xFFFFFFE0]  }
0x67: {  	v2 =	vld [tilespmem:s18+$0xFFFFFFD0]  }
0x68: {  	[tilespmem:v3+s14+$0x0] =	vst.idx.add.f32.msk $0xffff, v1  }
0x69: {  	[tilespmem:v4+s14+$0x0] =	vst.idx.add.f32.msk $0xffff, v1  }
0x6a: {  	[tilespmem:v5+s14+$0x0] =	vst.idx.add.f32.msk $0xffff, v1  }
0x6b: {  	[tilespmem:v6+s14+$0x0] =	vst.idx.add.f32.msk $0xffff, v1  }
0x6c: {  	[tilespmem:v7+s14+$0x0] =	vst.idx.add.f32.msk $0xffff, v1  }
0x6d: {  	[tilespmem:v8+s14+$0x0] =	vst.idx.add.f32.msk $0xffff, v1  }
0x6e: {  	s19 =	simm.s32 $0x0;
	[tilespmem:v9+s14+$0x0] =	vst.idx.add.f32.msk $0xffff, v1  }
.LBB2_6:
0x6f: {  	s19 =	sadd.s32 $0x8, s19;
	[tilespmem:v2+s14+$0x0] =	vst.idx.add.f32.msk $0xffff, v1;
	s18 =	sadd.s32 $0x100, s18  }
0x70: {  	v3 =	vld [tilespmem:s18+$0xFFFFFFC0];
	p1 =	slt.u32 s19, $0x268  }
0x71: {  	v4 =	vld [tilespmem:s18+$0x30]  }
0x72: {  	v5 =	vld [tilespmem:s18+$0x20]  }
0x73: {  	v6 =	vld [tilespmem:s18+$0x10]  }
0x74: {  	v7 =	vld [tilespmem:s18+$0x0]  }
0x75: {  	v8 =	vld [tilespmem:s18+$0xFFFFFFF0]  }
0x76: {  	v9 =	vld [tilespmem:s18+$0xFFFFFFE0]  }
0x77: {  	v2 =	vld [tilespmem:s18+$0xFFFFFFD0]  }
0x78: {  	[tilespmem:v3+s14+$0x0] =	vst.idx.add.f32.msk $0xffff, v1  }
0x79: {  	[tilespmem:v4+s14+$0x0] =	vst.idx.add.f32.msk $0xffff, v1  }
.Ltmp4:
0x7a: {  	[tilespmem:v5+s14+$0x0] =	vst.idx.add.f32.msk $0xffff, v1;
	(pc) =	sbr.rel @p1 .LBB2_6-.Ltmp4, $4  }
0x7b: {  	[tilespmem:v6+s14+$0x0] =	vst.idx.add.f32.msk $0xffff, v1  }
0x7c: {  	[tilespmem:v7+s14+$0x0] =	vst.idx.add.f32.msk $0xffff, v1  }
0x7d: {  	[tilespmem:v8+s14+$0x0] =	vst.idx.add.f32.msk $0xffff, v1  }
0x7e: {  	[tilespmem:v9+s14+$0x0] =	vst.idx.add.f32.msk $0xffff, v1  }
.Ltmp5:
0x7f: {  	_ = 	snop;
	(pc) =	sbr.rel @p0 .LBB2_9-.Ltmp5, $2  }
0x80: {  	_ =	sdelay $0x2  }
0x81: {  	[tilespmem:v2+s14+$0x0] =	vst.idx.add.f32.msk $0xffff, v1  }
0x82: {  	[tilespmem:s15], [sflag:$0x3] =	stream.linear.gather [hbm4b:s5+s2], $0x400, $0x38;
	[tilespmem:$0xF000] =	vst v63  }
0x83: {  	_ =	swait.ge [sflag:s16], $0x400  }
0x84: {  	[sflag:s16] =	ssyncset.done $0x0  }
0x85: {  	[sflag:s16] =	ssyncadd.s32 $0xFFFFFC00  }
0x86: {  	v2 =	vld [tilespmem:$0x9C00];
	_ =	sdelay $0x7  }
0x87: {  	[tilespmem:v2+s12+$0x0] =	vst.idx.add.f32.msk $0xffff, v1  }
0x88: {  	v2 =	vld [tilespmem:$0x9C10];
	_ =	sdelay $0x7  }
0x89: {  	[tilespmem:v2+s12+$0x0] =	vst.idx.add.f32.msk $0xffff, v1  }
0x8a: {  	v2 =	vld [tilespmem:$0x9C20];
	_ =	sdelay $0x7  }
0x8b: {  	[tilespmem:v2+s12+$0x0] =	vst.idx.add.f32.msk $0xffff, v1  }
0x8c: {  	v2 =	vld [tilespmem:$0x9C30];
	_ =	sdelay $0x7  }
0x8d: {  	[tilespmem:v2+s12+$0x0] =	vst.idx.add.f32.msk $0xffff, v1  }
0x8e: {  	v2 =	vld [tilespmem:$0x9C40];
	_ =	sdelay $0x7  }
0x8f: {  	[tilespmem:v2+s12+$0x0] =	vst.idx.add.f32.msk $0xffff, v1  }
0x90: {  	v2 =	vld [tilespmem:$0x9C50];
	_ =	sdelay $0x7  }
0x91: {  	[tilespmem:v2+s12+$0x0] =	vst.idx.add.f32.msk $0xffff, v1  }
0x92: {  	v2 =	vld [tilespmem:$0x9C60];
	_ =	sdelay $0x7  }
0x93: {  	[tilespmem:v2+s12+$0x0] =	vst.idx.add.f32.msk $0xffff, v1  }
0x94: {  	v2 =	vld [tilespmem:$0x9C70];
	_ =	sdelay $0x7  }
0x95: {  	[tilespmem:v2+s12+$0x0] =	vst.idx.add.f32.msk $0xffff, v1  }
0x96: {  	v2 =	vld [tilespmem:$0x9D00];
	_ =	sdelay $0x7  }
0x97: {  	[tilespmem:v2+s12+$0x0] =	vst.idx.add.f32.msk $0xffff, v1  }
0x98: {  	v2 =	vld [tilespmem:$0x9D10];
	_ =	sdelay $0x7  }
0x99: {  	[tilespmem:v2+s12+$0x0] =	vst.idx.add.f32.msk $0xffff, v1  }
0x9a: {  	v2 =	vld [tilespmem:$0x9D20];
	_ =	sdelay $0x7  }
0x9b: {  	[tilespmem:v2+s12+$0x0] =	vst.idx.add.f32.msk $0xffff, v1  }
0x9c: {  	v2 =	vld [tilespmem:$0x9D30];
	_ =	sdelay $0x7  }
0x9d: {  	[tilespmem:v2+s12+$0x0] =	vst.idx.add.f32.msk $0xffff, v1  }
0x9e: {  	v2 =	vld [tilespmem:$0x9D40];
	_ =	sdelay $0x7  }
0x9f: {  	[tilespmem:v2+s12+$0x0] =	vst.idx.add.f32.msk $0xffff, v1  }
0xa0: {  	v2 =	vld [tilespmem:$0x9D50];
	_ =	sdelay $0x7  }
0xa1: {  	[tilespmem:v2+s12+$0x0] =	vst.idx.add.f32.msk $0xffff, v1  }
0xa2: {  	v2 =	vld [tilespmem:$0x9D60];
	_ =	sdelay $0x7  }
0xa3: {  	[tilespmem:v2+s12+$0x0] =	vst.idx.add.f32.msk $0xffff, v1  }
0xa4: {  	v2 =	vld [tilespmem:$0x9D70];
	_ =	sdelay $0x7  }
0xa5: {  	[tilespmem:v2+s12+$0x0] =	vst.idx.add.f32.msk $0xffff, v1  }
0xa6: {  	v2 =	vld [tilespmem:$0x9E00];
	_ =	sdelay $0x7  }
0xa7: {  	[tilespmem:v2+s12+$0x0] =	vst.idx.add.f32.msk $0xffff, v1  }
0xa8: {  	v2 =	vld [tilespmem:$0x9E10];
	_ =	sdelay $0x7  }
0xa9: {  	[tilespmem:v2+s12+$0x0] =	vst.idx.add.f32.msk $0xffff, v1  }
0xaa: {  	v2 =	vld [tilespmem:$0x9E20];
	_ =	sdelay $0x7  }
0xab: {  	[tilespmem:v2+s12+$0x0] =	vst.idx.add.f32.msk $0xffff, v1  }
0xac: {  	v2 =	vld [tilespmem:$0x9E30];
	_ =	sdelay $0x7  }
0xad: {  	[tilespmem:v2+s12+$0x0] =	vst.idx.add.f32.msk $0xffff, v1  }
0xae: {  	v2 =	vld [tilespmem:$0x9E40];
	_ =	sdelay $0x7  }
0xaf: {  	[tilespmem:v2+s12+$0x0] =	vst.idx.add.f32.msk $0xffff, v1  }
0xb0: {  	v2 =	vld [tilespmem:$0x9E50];
	_ =	sdelay $0x7  }
0xb1: {  	[tilespmem:v2+s12+$0x0] =	vst.idx.add.f32.msk $0xffff, v1  }
0xb2: {  	v2 =	vld [tilespmem:$0x9E60];
	_ =	sdelay $0x7  }
0xb3: {  	[tilespmem:v2+s12+$0x0] =	vst.idx.add.f32.msk $0xffff, v1  }
0xb4: {  	v2 =	vld [tilespmem:$0x9E70];
	_ =	sdelay $0x7  }
0xb5: {  	[tilespmem:v2+s12+$0x0] =	vst.idx.add.f32.msk $0xffff, v1  }
0xb6: {  	v2 =	vld [tilespmem:$0x9F00];
	_ =	sdelay $0x7  }
0xb7: {  	[tilespmem:v2+s12+$0x0] =	vst.idx.add.f32.msk $0xffff, v1  }
0xb8: {  	v2 =	vld [tilespmem:$0x9F10];
	_ =	sdelay $0x7  }
0xb9: {  	[tilespmem:v2+s12+$0x0] =	vst.idx.add.f32.msk $0xffff, v1  }
0xba: {  	v2 =	vld [tilespmem:$0x9F20];
	_ =	sdelay $0x7  }
0xbb: {  	[tilespmem:v2+s12+$0x0] =	vst.idx.add.f32.msk $0xffff, v1  }
0xbc: {  	v2 =	vld [tilespmem:$0x9F30];
	_ =	sdelay $0x7  }
0xbd: {  	[tilespmem:v2+s12+$0x0] =	vst.idx.add.f32.msk $0xffff, v1  }
0xbe: {  	v2 =	vld [tilespmem:$0x9F40];
	_ =	sdelay $0x7  }
0xbf: {  	[tilespmem:v2+s12+$0x0] =	vst.idx.add.f32.msk $0xffff, v1  }
0xc0: {  	v2 =	vld [tilespmem:$0x9F50];
	_ =	sdelay $0x7  }
0xc1: {  	[tilespmem:v2+s12+$0x0] =	vst.idx.add.f32.msk $0xffff, v1  }
0xc2: {  	v2 =	vld [tilespmem:$0x9F60];
	_ =	sdelay $0x7  }
0xc3: {  	[tilespmem:v2+s12+$0x0] =	vst.idx.add.f32.msk $0xffff, v1  }
0xc4: {  	v2 =	vld [tilespmem:$0x9F70];
	_ =	sdelay $0x7  }
0xc5: {  	[tilespmem:v2+s12+$0x0] =	vst.idx.add.f32.msk $0xffff, v1  }
0xc6: {  	[tilespmem:s15], [sflag:$0x3] =	stream.linear.gather [hbm4b:s6+s2], $0x400, $0x38;
	[tilespmem:$0xF000] =	vst v63  }
0xc7: {  	_ =	swait.ge [sflag:s16], $0x400  }
0xc8: {  	[sflag:s16] =	ssyncset.done $0x0  }
0xc9: {  	[sflag:s16] =	ssyncadd.s32 $0xFFFFFC00  }
0xca: {  	v2 =	vld [tilespmem:$0x9C00];
	_ =	sdelay $0x7  }
0xcb: {  	[tilespmem:v2+s14+$0x0] =	vst.idx.add.f32.msk $0xffff, v1  }
0xcc: {  	v2 =	vld [tilespmem:$0x9C10];
	_ =	sdelay $0x7  }
0xcd: {  	[tilespmem:v2+s14+$0x0] =	vst.idx.add.f32.msk $0xffff, v1  }
0xce: {  	v2 =	vld [tilespmem:$0x9C20];
	_ =	sdelay $0x7  }
0xcf: {  	[tilespmem:v2+s14+$0x0] =	vst.idx.add.f32.msk $0xffff, v1  }
0xd0: {  	v2 =	vld [tilespmem:$0x9C30];
	_ =	sdelay $0x7  }
0xd1: {  	[tilespmem:v2+s14+$0x0] =	vst.idx.add.f32.msk $0xffff, v1  }
0xd2: {  	v2 =	vld [tilespmem:$0x9C40];
	_ =	sdelay $0x7  }
0xd3: {  	[tilespmem:v2+s14+$0x0] =	vst.idx.add.f32.msk $0xffff, v1  }
0xd4: {  	v2 =	vld [tilespmem:$0x9C50];
	_ =	sdelay $0x7  }
0xd5: {  	[tilespmem:v2+s14+$0x0] =	vst.idx.add.f32.msk $0xffff, v1  }
0xd6: {  	v2 =	vld [tilespmem:$0x9C60];
	_ =	sdelay $0x7  }
0xd7: {  	[tilespmem:v2+s14+$0x0] =	vst.idx.add.f32.msk $0xffff, v1  }
0xd8: {  	v2 =	vld [tilespmem:$0x9C70];
	_ =	sdelay $0x7  }
0xd9: {  	[tilespmem:v2+s14+$0x0] =	vst.idx.add.f32.msk $0xffff, v1  }
0xda: {  	v2 =	vld [tilespmem:$0x9D00];
	_ =	sdelay $0x7  }
0xdb: {  	[tilespmem:v2+s14+$0x0] =	vst.idx.add.f32.msk $0xffff, v1  }
0xdc: {  	v2 =	vld [tilespmem:$0x9D10];
	_ =	sdelay $0x7  }
0xdd: {  	[tilespmem:v2+s14+$0x0] =	vst.idx.add.f32.msk $0xffff, v1  }
0xde: {  	v2 =	vld [tilespmem:$0x9D20];
	_ =	sdelay $0x7  }
0xdf: {  	[tilespmem:v2+s14+$0x0] =	vst.idx.add.f32.msk $0xffff, v1  }
0xe0: {  	v2 =	vld [tilespmem:$0x9D30];
	_ =	sdelay $0x7  }
0xe1: {  	[tilespmem:v2+s14+$0x0] =	vst.idx.add.f32.msk $0xffff, v1  }
0xe2: {  	v2 =	vld [tilespmem:$0x9D40];
	_ =	sdelay $0x7  }
0xe3: {  	[tilespmem:v2+s14+$0x0] =	vst.idx.add.f32.msk $0xffff, v1  }
0xe4: {  	v2 =	vld [tilespmem:$0x9D50];
	_ =	sdelay $0x7  }
0xe5: {  	[tilespmem:v2+s14+$0x0] =	vst.idx.add.f32.msk $0xffff, v1  }
0xe6: {  	v2 =	vld [tilespmem:$0x9D60];
	_ =	sdelay $0x7  }
0xe7: {  	[tilespmem:v2+s14+$0x0] =	vst.idx.add.f32.msk $0xffff, v1  }
0xe8: {  	v2 =	vld [tilespmem:$0x9D70];
	_ =	sdelay $0x7  }
0xe9: {  	[tilespmem:v2+s14+$0x0] =	vst.idx.add.f32.msk $0xffff, v1  }
0xea: {  	v2 =	vld [tilespmem:$0x9E00];
	_ =	sdelay $0x7  }
0xeb: {  	[tilespmem:v2+s14+$0x0] =	vst.idx.add.f32.msk $0xffff, v1  }
0xec: {  	v2 =	vld [tilespmem:$0x9E10];
	_ =	sdelay $0x7  }
0xed: {  	[tilespmem:v2+s14+$0x0] =	vst.idx.add.f32.msk $0xffff, v1  }
0xee: {  	v2 =	vld [tilespmem:$0x9E20];
	_ =	sdelay $0x7  }
0xef: {  	[tilespmem:v2+s14+$0x0] =	vst.idx.add.f32.msk $0xffff, v1  }
0xf0: {  	v2 =	vld [tilespmem:$0x9E30];
	_ =	sdelay $0x7  }
0xf1: {  	[tilespmem:v2+s14+$0x0] =	vst.idx.add.f32.msk $0xffff, v1  }
0xf2: {  	v2 =	vld [tilespmem:$0x9E40];
	_ =	sdelay $0x7  }
0xf3: {  	[tilespmem:v2+s14+$0x0] =	vst.idx.add.f32.msk $0xffff, v1  }
0xf4: {  	v2 =	vld [tilespmem:$0x9E50];
	_ =	sdelay $0x7  }
0xf5: {  	[tilespmem:v2+s14+$0x0] =	vst.idx.add.f32.msk $0xffff, v1  }
0xf6: {  	v2 =	vld [tilespmem:$0x9E60];
	_ =	sdelay $0x7  }
0xf7: {  	[tilespmem:v2+s14+$0x0] =	vst.idx.add.f32.msk $0xffff, v1  }
0xf8: {  	v2 =	vld [tilespmem:$0x9E70];
	_ =	sdelay $0x7  }
0xf9: {  	[tilespmem:v2+s14+$0x0] =	vst.idx.add.f32.msk $0xffff, v1  }
0xfa: {  	v2 =	vld [tilespmem:$0x9F00];
	_ =	sdelay $0x7  }
0xfb: {  	[tilespmem:v2+s14+$0x0] =	vst.idx.add.f32.msk $0xffff, v1  }
0xfc: {  	v2 =	vld [tilespmem:$0x9F10];
	_ =	sdelay $0x7  }
0xfd: {  	[tilespmem:v2+s14+$0x0] =	vst.idx.add.f32.msk $0xffff, v1  }
0xfe: {  	v2 =	vld [tilespmem:$0x9F20];
	_ =	sdelay $0x7  }
0xff: {  	[tilespmem:v2+s14+$0x0] =	vst.idx.add.f32.msk $0xffff, v1  }
0x100: {  	v2 =	vld [tilespmem:$0x9F30];
	_ =	sdelay $0x7  }
0x101: {  	[tilespmem:v2+s14+$0x0] =	vst.idx.add.f32.msk $0xffff, v1  }
0x102: {  	v2 =	vld [tilespmem:$0x9F40];
	_ =	sdelay $0x7  }
0x103: {  	[tilespmem:v2+s14+$0x0] =	vst.idx.add.f32.msk $0xffff, v1  }
0x104: {  	v2 =	vld [tilespmem:$0x9F50];
	_ =	sdelay $0x7  }
0x105: {  	[tilespmem:v2+s14+$0x0] =	vst.idx.add.f32.msk $0xffff, v1  }
0x106: {  	v2 =	vld [tilespmem:$0x9F60];
	_ =	sdelay $0x7  }
0x107: {  	[tilespmem:v2+s14+$0x0] =	vst.idx.add.f32.msk $0xffff, v1  }
0x108: {  	v2 =	vld [tilespmem:$0x9F70];
	_ =	sdelay $0x3  }
.Ltmp6:
0x109: {  	_ = 	snop;
	(pc) =	sbr.rel .LBB2_9-.Ltmp6, $2  }
0x10a: {  	_ =	sdelay $0x2  }
0x10b: {  	[tilespmem:v2+s14+$0x0] =	vst.idx.add.f32.msk $0xffff, v1  }
.LBB2_10:
0x10c: {  	_ =	sfence.sel $0x180000  }
0x10d: {  	[bflag:$0x0] =	sbarrier.arrive $0xFFFF  }
0x10e: {  	p0 =	sne.s32 s0, $0x0;
	_ =	strace $0x90000047  }
0x10f: {  	s0 =	sadd.s32 @!p0 $0x100000, s1;
	[bflag:$0x2] =	sbarrier.arrive $0xFFFF  }
0x110: {  	[sflag:s0] =	ssyncadd.tile.s32 @!p0 $0x1;
	_ =	shalt  }
.Lfunc_end2:
_tile_overlayer_lowered:
.L_overlay_start_2:
0x111: {  	(tag) =	ssettag $0x2  }
0x112: {  	s0 =	rddreg [dreg:$0x0];
	s2 =	stileid.u32  }
0x113: {  	s1 =	rddreg [dreg:$0x1];
	p0 =	sne.s32 s2, $0x0  }
0x114: {  	s3 =	rddreg [dreg:$0x2];
	[bflag:$0x3] =	sbarrier.arrive $0xFFFF;
	s2 =	simm.s32 @!p0 $0x1C03  }
0x115: {  	[timem:s3], [sflag:s2] =	dma.local @!p0 [hbm:s0], s1  }
0x116: {  	s0 =	simm.s32 @!p0 $0x3  }
0x117: {  	_ =	swait.ge @!p0 [sflag:s0], s1  }
0x118: {  	s1 =	ssub.s32 @!p0 $0x0, s1;
	[sflag:s0] =	ssyncset.done @!p0 $0x0  }
0x119: {  	[sflag:s0] =	ssyncadd.s32 @!p0 s1  }
0x11a: {  	[bflag:$0x3] =	sbarrier.arrive $0xFFFF  }
0x11b: {  	_ =	shalt  }

</sc_bundles>
